<compile_context>
chip_gen: v7x
topology: tpu7x:2x2x1
jax: 0.10.2.dev20260603
libtpu: 0.0.44.dev20260713+nightly
codegen_flags: <defaults>
</compile_context>

<pallas_src>
import functools

import jax
import jax.numpy as jnp
from jax import lax
from jax.experimental import pallas as pl
from jax.experimental.pallas import tpu as pltpu
from jax.experimental.pallas import tpu_sc as plsc

NC = 2
NS = 16
NW = NC * NS
G = 640
NB = 4


@functools.cache
def _build(vocab, dim, n_total):
    per_w = n_total // NW
    t_steps = per_w // G
    assert per_w * NW == n_total and t_steps * G == per_w
    assert t_steps % NB == 0 and t_steps >= 2 * NB

    mesh = plsc.VectorSubcoreMesh(core_axis_name="c", subcore_axis_name="s")

    @functools.partial(
        pl.kernel,
        out_type=jax.ShapeDtypeStruct((NW, t_steps, G, dim), jnp.float32),
        mesh=mesh,
        compiler_params=pltpu.CompilerParams(use_tc_tiling_on_sc=False),
        scratch_types=(
            [pltpu.VMEM((t_steps, G), jnp.int32),
             pltpu.VMEM((NB, G, dim), jnp.float32)]
            + [pltpu.SemaphoreType.DMA for _ in range(2 * NB)]
        ),
    )
    def body(idx_hbm, table_hbm, out_hbm, idx_v, rows_v, *sems):
        wid = lax.axis_index("s") * NC + lax.axis_index("c")
        gsems = sems[:NB]
        osems = sems[NB:]

        pltpu.sync_copy(idx_hbm.at[wid], idx_v)

        def start_gather(t, ph):
            pltpu.async_copy(table_hbm.at[idx_v.at[t]], rows_v.at[ph],
                             gsems[ph])

        def wait_gather(ph):
            pltpu.make_async_copy(table_hbm.at[idx_v.at[0]], rows_v.at[ph],
                                  gsems[ph]).wait()

        def start_out(t, ph):
            pltpu.async_copy(rows_v.at[ph], out_hbm.at[wid, t], osems[ph])

        def wait_out(ph):
            pltpu.make_async_copy(rows_v.at[ph], out_hbm.at[wid, 0],
                                  osems[ph]).wait()

        for p in range(NB):
            start_gather(p, p)
        wait_gather(0)
        start_out(0, 0)

        @pl.loop(1, t_steps // NB)
        def _(u):
            for ph in range(NB):
                t = NB * u + ph
                wait_out(ph)
                start_gather(t, ph)
                dph = (ph + 1) % NB
                wait_gather(dph)
                start_out(t - (NB - 1), dph)

        for e in range(t_steps - NB + 1, t_steps):
            wait_gather(e % NB)
            start_out(e, e % NB)
        for ph in range(NB):
            wait_out(ph)

    return body


def kernel(inputs, weight):
    b, l = inputs.shape
    vocab, dim = weight.shape
    n_total = b * l
    t_steps = n_total // NW // G

    idx3 = inputs.reshape(NW, t_steps, G)
    out = _build(vocab, dim, n_total)(idx3, weight)
    return out.reshape(b, l, dim)

# --- scband reference (transcript-rebuilt; emitter-appended) ---
"""Pipeline reference for scband-embedding-50560355008563 (READ-ONLY COPY).

The authoritative reference and input builder live on the scoring server;
editing this copy changes nothing except your own understanding.
"""

import jax, jax.numpy as jnp
import numpy as np

VOCAB = 1000000
DIM = 32
B = 4096
L = 200

def setup_inputs(seed: int = 0) -> dict:
    key = jax.random.key(seed)
    k1, k2 = jax.random.split(key)
    inputs = jax.random.randint(k1, (B, L), 0, VOCAB, dtype=jnp.int32)
    # embedding table (torch.nn.Embedding default init: N(0, 1))
    weight = jax.random.normal(k2, (VOCAB, DIM), dtype=jnp.float32)
    return {"inputs": inputs, "weight": weight}

def reference(inputs, weight):
    # Faithful translation of Embedding.forward: self._layer(inputs)
    return jnp.take(weight, inputs, axis=0)

if __name__ == "__main__":
    import jax
    _d = setup_inputs()
    print(jax.jit(kernel)(*tuple(_d.values())))

</pallas_src>

<mosaic_0001>
#map = affine_map<(d0, d1) -> (0, 0, 0)>
#map1 = affine_map<(d0, d1) -> (0, 0)>
#map2 = affine_map<(d0, d1) -> (0, 0, 0, 0)>
module attributes {stable_mosaic.version = 14 : i64} {
  func.func @body(%arg0: i32, %arg1: i32, %arg2: memref<32x40x640xi32, #tpu.memory_space<hbm>>, %arg3: memref<1000000x32xf32, #tpu.memory_space<hbm>>, %arg4: memref<32x40x640x32xf32, #tpu.memory_space<hbm>>, %arg5: memref<40x640xi32, #tpu.memory_space<vmem>>, %arg6: memref<4x640x32xf32, #tpu.memory_space<vmem>>, %arg7: memref<!tpu.dma_semaphore, #tpu.memory_space<semaphore_mem>>, %arg8: memref<!tpu.dma_semaphore, #tpu.memory_space<semaphore_mem>>, %arg9: memref<!tpu.dma_semaphore, #tpu.memory_space<semaphore_mem>>, %arg10: memref<!tpu.dma_semaphore, #tpu.memory_space<semaphore_mem>>, %arg11: memref<!tpu.dma_semaphore, #tpu.memory_space<semaphore_mem>>, %arg12: memref<!tpu.dma_semaphore, #tpu.memory_space<semaphore_mem>>, %arg13: memref<!tpu.dma_semaphore, #tpu.memory_space<semaphore_mem>>, %arg14: memref<!tpu.dma_semaphore, #tpu.memory_space<semaphore_mem>>) attributes {dimension_semantics = [#tpu.dimension_semantics<core_parallel>, #tpu.dimension_semantics<subcore_parallel>], iteration_bounds = array<i64: 2, 16>, scalar_prefetch = 0 : i64, scratch_operands = 10 : i64, tpu.core_type = #tpu.core_type<sc_vector_subcore>, window_params = [{transform_indices = #map}, {transform_indices = #map1}, {transform_indices = #map2}]} {
    %mul3A = arith.constant 2 : i32
    %mul3A_0 = arith.muli %arg1, %mul3A : i32
    %add3A = arith.addi %mul3A_0, %arg0 : i32
    "tpu.region"() ({
      %run_scoped3A = tpu.sem_alloc : memref<!tpu.dma_semaphore, #tpu.memory_space<semaphore_mem>>
      %dma_start3A_243 = arith.constant 0 : i32
      %dma_start3A_244 = arith.constant 0 : i32
      %dma_start3A_245 = tpu.memref_slice %arg2[%add3A, %dma_start3A_243, %dma_start3A_244] : memref<32x40x640xi32, #tpu.memory_space<hbm>> -> memref<1x40x640xi32, #tpu.memory_space<hbm>>
      %dma_start3A_246 = tpu.memref_squeeze %dma_start3A_245 : memref<1x40x640xi32, #tpu.memory_space<hbm>> -> memref<40x640xi32, #tpu.memory_space<hbm>>
      %dma_start3A_247 = arith.constant 0 : i32
      %dma_start3A_248 = arith.constant 0 : i32
      %dma_start3A_249 = tpu.memref_slice %arg2[%add3A, %dma_start3A_247, %dma_start3A_248] : memref<32x40x640xi32, #tpu.memory_space<hbm>> -> memref<1x40x640xi32, #tpu.memory_space<hbm>>
      %dma_start3A_250 = tpu.memref_squeeze %dma_start3A_249 : memref<1x40x640xi32, #tpu.memory_space<hbm>> -> memref<40x640xi32, #tpu.memory_space<hbm>>
      tpu.enqueue_dma source(%dma_start3A_250 : memref<40x640xi32, #tpu.memory_space<hbm>>) target(%arg5 : memref<40x640xi32, #tpu.memory_space<vmem>>) target_semaphore(%run_scoped3A : memref<!tpu.dma_semaphore, #tpu.memory_space<semaphore_mem>>)
      %dma_wait3A_251 = arith.constant 0 : i32
      %dma_wait3A_252 = arith.constant 0 : i32
      %dma_wait3A_253 = tpu.memref_slice %arg2[%add3A, %dma_wait3A_251, %dma_wait3A_252] : memref<32x40x640xi32, #tpu.memory_space<hbm>> -> memref<1x40x640xi32, #tpu.memory_space<hbm>>
      %dma_wait3A_254 = tpu.memref_squeeze %dma_wait3A_253 : memref<1x40x640xi32, #tpu.memory_space<hbm>> -> memref<40x640xi32, #tpu.memory_space<hbm>>
      %dma_wait3A_255 = arith.constant 0 : i32
      %dma_wait3A_256 = arith.constant 0 : i32
      %dma_wait3A_257 = tpu.memref_slice %arg2[%add3A, %dma_wait3A_255, %dma_wait3A_256] : memref<32x40x640xi32, #tpu.memory_space<hbm>> -> memref<1x40x640xi32, #tpu.memory_space<hbm>>
      %dma_wait3A_258 = tpu.memref_squeeze %dma_wait3A_257 : memref<1x40x640xi32, #tpu.memory_space<hbm>> -> memref<40x640xi32, #tpu.memory_space<hbm>>
      tpu.wait_dma2 semaphore(%run_scoped3A : memref<!tpu.dma_semaphore, #tpu.memory_space<semaphore_mem>>) src(%dma_wait3A_258 : memref<40x640xi32, #tpu.memory_space<hbm>>) dst(%arg5 : memref<40x640xi32, #tpu.memory_space<vmem>>)
      tpu.yield
    }) : () -> ()
    %dma_start3A = arith.constant 0 : i32
    %dma_start3A_1 = arith.constant 0 : i32
    %dma_start3A_2 = arith.constant 0 : i32
    %dma_start3A_3 = arith.constant 0 : i32
    %dma_start3A_4 = tpu.memref_slice %arg6[%dma_start3A_1, %dma_start3A_2, %dma_start3A_3] : memref<4x640x32xf32, #tpu.memory_space<vmem>> -> memref<1x640x32xf32, #tpu.memory_space<vmem>>
    %dma_start3A_5 = tpu.memref_squeeze %dma_start3A_4 : memref<1x640x32xf32, #tpu.memory_space<vmem>> -> memref<640x32xf32, #tpu.memory_space<vmem>>
    %dma_start3A_6 = arith.constant 0 : i32
    %dma_start3A_7 = tpu.memref_slice %arg5[%dma_start3A, %dma_start3A_6] : memref<40x640xi32, #tpu.memory_space<vmem>> -> memref<1x640xi32, #tpu.memory_space<vmem>>
    %dma_start3A_8 = tpu.memref_squeeze %dma_start3A_7 : memref<1x640xi32, #tpu.memory_space<vmem>> -> memref<640xi32, #tpu.memory_space<vmem>>
    %dma_start3A_9 = arith.constant 0 : i32
    %dma_start3A_10 = arith.constant 0 : i32
    %dma_start3A_11 = tpu.memref_slice %arg3[%dma_start3A_9, %dma_start3A_10] : memref<1000000x32xf32, #tpu.memory_space<hbm>> -> memref<1000000x32xf32, #tpu.memory_space<hbm>>
    tpu.enqueue_indirect_dma source(%dma_start3A_11 : memref<1000000x32xf32, #tpu.memory_space<hbm>>) target(%dma_start3A_5 : memref<640x32xf32, #tpu.memory_space<vmem>>) offsets(%dma_start3A_8 : memref<640xi32, #tpu.memory_space<vmem>>) semaphore(%arg7 : memref<!tpu.dma_semaphore, #tpu.memory_space<semaphore_mem>>)
    %dma_start3A_12 = arith.constant 1 : i32
    %dma_start3A_13 = arith.constant 1 : i32
    %dma_start3A_14 = arith.constant 0 : i32
    %dma_start3A_15 = arith.constant 0 : i32
    %dma_start3A_16 = tpu.memref_slice %arg6[%dma_start3A_13, %dma_start3A_14, %dma_start3A_15] : memref<4x640x32xf32, #tpu.memory_space<vmem>> -> memref<1x640x32xf32, #tpu.memory_space<vmem>>
    %dma_start3A_17 = tpu.memref_squeeze %dma_start3A_16 : memref<1x640x32xf32, #tpu.memory_space<vmem>> -> memref<640x32xf32, #tpu.memory_space<vmem>>
    %dma_start3A_18 = arith.constant 0 : i32
    %dma_start3A_19 = tpu.memref_slice %arg5[%dma_start3A_12, %dma_start3A_18] : memref<40x640xi32, #tpu.memory_space<vmem>> -> memref<1x640xi32, #tpu.memory_space<vmem>>
    %dma_start3A_20 = tpu.memref_squeeze %dma_start3A_19 : memref<1x640xi32, #tpu.memory_space<vmem>> -> memref<640xi32, #tpu.memory_space<vmem>>
    %dma_start3A_21 = arith.constant 0 : i32
    %dma_start3A_22 = arith.constant 0 : i32
    %dma_start3A_23 = tpu.memref_slice %arg3[%dma_start3A_21, %dma_start3A_22] : memref<1000000x32xf32, #tpu.memory_space<hbm>> -> memref<1000000x32xf32, #tpu.memory_space<hbm>>
    tpu.enqueue_indirect_dma source(%dma_start3A_23 : memref<1000000x32xf32, #tpu.memory_space<hbm>>) target(%dma_start3A_17 : memref<640x32xf32, #tpu.memory_space<vmem>>) offsets(%dma_start3A_20 : memref<640xi32, #tpu.memory_space<vmem>>) semaphore(%arg8 : memref<!tpu.dma_semaphore, #tpu.memory_space<semaphore_mem>>)
    %dma_start3A_24 = arith.constant 2 : i32
    %dma_start3A_25 = arith.constant 2 : i32
    %dma_start3A_26 = arith.constant 0 : i32
    %dma_start3A_27 = arith.constant 0 : i32
    %dma_start3A_28 = tpu.memref_slice %arg6[%dma_start3A_25, %dma_start3A_26, %dma_start3A_27] : memref<4x640x32xf32, #tpu.memory_space<vmem>> -> memref<1x640x32xf32, #tpu.memory_space<vmem>>
    %dma_start3A_29 = tpu.memref_squeeze %dma_start3A_28 : memref<1x640x32xf32, #tpu.memory_space<vmem>> -> memref<640x32xf32, #tpu.memory_space<vmem>>
    %dma_start3A_30 = arith.constant 0 : i32
    %dma_start3A_31 = tpu.memref_slice %arg5[%dma_start3A_24, %dma_start3A_30] : memref<40x640xi32, #tpu.memory_space<vmem>> -> memref<1x640xi32, #tpu.memory_space<vmem>>
    %dma_start3A_32 = tpu.memref_squeeze %dma_start3A_31 : memref<1x640xi32, #tpu.memory_space<vmem>> -> memref<640xi32, #tpu.memory_space<vmem>>
    %dma_start3A_33 = arith.constant 0 : i32
    %dma_start3A_34 = arith.constant 0 : i32
    %dma_start3A_35 = tpu.memref_slice %arg3[%dma_start3A_33, %dma_start3A_34] : memref<1000000x32xf32, #tpu.memory_space<hbm>> -> memref<1000000x32xf32, #tpu.memory_space<hbm>>
    tpu.enqueue_indirect_dma source(%dma_start3A_35 : memref<1000000x32xf32, #tpu.memory_space<hbm>>) target(%dma_start3A_29 : memref<640x32xf32, #tpu.memory_space<vmem>>) offsets(%dma_start3A_32 : memref<640xi32, #tpu.memory_space<vmem>>) semaphore(%arg9 : memref<!tpu.dma_semaphore, #tpu.memory_space<semaphore_mem>>)
    %dma_start3A_36 = arith.constant 3 : i32
    %dma_start3A_37 = arith.constant 3 : i32
    %dma_start3A_38 = arith.constant 0 : i32
    %dma_start3A_39 = arith.constant 0 : i32
    %dma_start3A_40 = tpu.memref_slice %arg6[%dma_start3A_37, %dma_start3A_38, %dma_start3A_39] : memref<4x640x32xf32, #tpu.memory_space<vmem>> -> memref<1x640x32xf32, #tpu.memory_space<vmem>>
    %dma_start3A_41 = tpu.memref_squeeze %dma_start3A_40 : memref<1x640x32xf32, #tpu.memory_space<vmem>> -> memref<640x32xf32, #tpu.memory_space<vmem>>
    %dma_start3A_42 = arith.constant 0 : i32
    %dma_start3A_43 = tpu.memref_slice %arg5[%dma_start3A_36, %dma_start3A_42] : memref<40x640xi32, #tpu.memory_space<vmem>> -> memref<1x640xi32, #tpu.memory_space<vmem>>
    %dma_start3A_44 = tpu.memref_squeeze %dma_start3A_43 : memref<1x640xi32, #tpu.memory_space<vmem>> -> memref<640xi32, #tpu.memory_space<vmem>>
    %dma_start3A_45 = arith.constant 0 : i32
    %dma_start3A_46 = arith.constant 0 : i32
    %dma_start3A_47 = tpu.memref_slice %arg3[%dma_start3A_45, %dma_start3A_46] : memref<1000000x32xf32, #tpu.memory_space<hbm>> -> memref<1000000x32xf32, #tpu.memory_space<hbm>>
    tpu.enqueue_indirect_dma source(%dma_start3A_47 : memref<1000000x32xf32, #tpu.memory_space<hbm>>) target(%dma_start3A_41 : memref<640x32xf32, #tpu.memory_space<vmem>>) offsets(%dma_start3A_44 : memref<640xi32, #tpu.memory_space<vmem>>) semaphore(%arg10 : memref<!tpu.dma_semaphore, #tpu.memory_space<semaphore_mem>>)
    %dma_wait3A = arith.constant 0 : i32
    %dma_wait3A_48 = arith.constant 0 : i32
    %dma_wait3A_49 = arith.constant 0 : i32
    %dma_wait3A_50 = arith.constant 0 : i32
    %dma_wait3A_51 = tpu.memref_slice %arg6[%dma_wait3A_48, %dma_wait3A_49, %dma_wait3A_50] : memref<4x640x32xf32, #tpu.memory_space<vmem>> -> memref<1x640x32xf32, #tpu.memory_space<vmem>>
    %dma_wait3A_52 = tpu.memref_squeeze %dma_wait3A_51 : memref<1x640x32xf32, #tpu.memory_space<vmem>> -> memref<640x32xf32, #tpu.memory_space<vmem>>
    %dma_wait3A_53 = arith.constant 0 : i32
    %dma_wait3A_54 = tpu.memref_slice %arg5[%dma_wait3A, %dma_wait3A_53] : memref<40x640xi32, #tpu.memory_space<vmem>> -> memref<1x640xi32, #tpu.memory_space<vmem>>
    %dma_wait3A_55 = tpu.memref_squeeze %dma_wait3A_54 : memref<1x640xi32, #tpu.memory_space<vmem>> -> memref<640xi32, #tpu.memory_space<vmem>>
    %dma_wait3A_56 = arith.constant 0 : i32
    %dma_wait3A_57 = arith.constant 0 : i32
    %dma_wait3A_58 = tpu.memref_slice %arg3[%dma_wait3A_56, %dma_wait3A_57] : memref<1000000x32xf32, #tpu.memory_space<hbm>> -> memref<1000000x32xf32, #tpu.memory_space<hbm>>
    tpu.wait_indirect_dma semaphore(%arg7 : memref<!tpu.dma_semaphore, #tpu.memory_space<semaphore_mem>>) src(%dma_wait3A_58 : memref<1000000x32xf32, #tpu.memory_space<hbm>>) dst(%dma_wait3A_52 : memref<640x32xf32, #tpu.memory_space<vmem>>)
    %dma_start3A_59 = arith.constant 0 : i32
    %dma_start3A_60 = arith.constant 0 : i32
    %dma_start3A_61 = arith.constant 0 : i32
    %dma_start3A_62 = arith.constant 0 : i32
    %dma_start3A_63 = tpu.memref_slice %arg6[%dma_start3A_59, %dma_start3A_61, %dma_start3A_62] : memref<4x640x32xf32, #tpu.memory_space<vmem>> -> memref<1x640x32xf32, #tpu.memory_space<vmem>>
    %dma_start3A_64 = tpu.memref_squeeze %dma_start3A_63 : memref<1x640x32xf32, #tpu.memory_space<vmem>> -> memref<640x32xf32, #tpu.memory_space<vmem>>
    %dma_start3A_65 = arith.constant 0 : i32
    %dma_start3A_66 = arith.constant 0 : i32
    %dma_start3A_67 = tpu.memref_slice %arg4[%add3A, %dma_start3A_60, %dma_start3A_65, %dma_start3A_66] : memref<32x40x640x32xf32, #tpu.memory_space<hbm>> -> memref<1x1x640x32xf32, #tpu.memory_space<hbm>>
    %dma_start3A_68 = tpu.memref_squeeze %dma_start3A_67 : memref<1x1x640x32xf32, #tpu.memory_space<hbm>> -> memref<640x32xf32, #tpu.memory_space<hbm>>
    %dma_start3A_69 = arith.constant 0 : i32
    %dma_start3A_70 = arith.constant 0 : i32
    %dma_start3A_71 = tpu.memref_slice %arg4[%add3A, %dma_start3A_60, %dma_start3A_69, %dma_start3A_70] : memref<32x40x640x32xf32, #tpu.memory_space<hbm>> -> memref<1x1x640x32xf32, #tpu.memory_space<hbm>>
    %dma_start3A_72 = tpu.memref_squeeze %dma_start3A_71 : memref<1x1x640x32xf32, #tpu.memory_space<hbm>> -> memref<640x32xf32, #tpu.memory_space<hbm>>
    %dma_start3A_73 = arith.constant 0 : i32
    %dma_start3A_74 = arith.constant 0 : i32
    %dma_start3A_75 = tpu.memref_slice %arg6[%dma_start3A_59, %dma_start3A_73, %dma_start3A_74] : memref<4x640x32xf32, #tpu.memory_space<vmem>> -> memref<1x640x32xf32, #tpu.memory_space<vmem>>
    %dma_start3A_76 = tpu.memref_squeeze %dma_start3A_75 : memref<1x640x32xf32, #tpu.memory_space<vmem>> -> memref<640x32xf32, #tpu.memory_space<vmem>>
    tpu.enqueue_dma source(%dma_start3A_76 : memref<640x32xf32, #tpu.memory_space<vmem>>) target(%dma_start3A_72 : memref<640x32xf32, #tpu.memory_space<hbm>>) target_semaphore(%arg11 : memref<!tpu.dma_semaphore, #tpu.memory_space<semaphore_mem>>)
    %scan3A = arith.constant 0 : i32
    %scan3A_77 = arith.constant 9 : i32
    %scan3A_78 = arith.addi %scan3A, %scan3A_77 : i32
    %scan3A_79 = arith.constant 1 : i32
    scf.for %scan3A_243 = %scan3A to %scan3A_78 step %scan3A_79  : i32 {
      %mul3A_244 = arith.constant 1 : i32
      %mul3A_245 = arith.muli %scan3A_243, %mul3A_244 : i32
      %add3A_246 = arith.constant 1 : i32
      %add3A_247 = arith.addi %add3A_246, %mul3A_245 : i32
      %mul3A_248 = arith.constant 4 : i32
      %mul3A_249 = arith.muli %mul3A_248, %add3A_247 : i32
      %add3A_250 = arith.constant 0 : i32
      %add3A_251 = arith.addi %mul3A_249, %add3A_250 : i32
      %dma_wait3A_252 = arith.constant 0 : i32
      %dma_wait3A_253 = arith.constant 0 : i32
      %dma_wait3A_254 = arith.constant 0 : i32
      %dma_wait3A_255 = arith.constant 0 : i32
      %dma_wait3A_256 = tpu.memref_slice %arg6[%dma_wait3A_252, %dma_wait3A_254, %dma_wait3A_255] : memref<4x640x32xf32, #tpu.memory_space<vmem>> -> memref<1x640x32xf32, #tpu.memory_space<vmem>>
      %dma_wait3A_257 = tpu.memref_squeeze %dma_wait3A_256 : memref<1x640x32xf32, #tpu.memory_space<vmem>> -> memref<640x32xf32, #tpu.memory_space<vmem>>
      %dma_wait3A_258 = arith.constant 0 : i32
      %dma_wait3A_259 = arith.constant 0 : i32
      %dma_wait3A_260 = tpu.memref_slice %arg4[%add3A, %dma_wait3A_253, %dma_wait3A_258, %dma_wait3A_259] : memref<32x40x640x32xf32, #tpu.memory_space<hbm>> -> memref<1x1x640x32xf32, #tpu.memory_space<hbm>>
      %dma_wait3A_261 = tpu.memref_squeeze %dma_wait3A_260 : memref<1x1x640x32xf32, #tpu.memory_space<hbm>> -> memref<640x32xf32, #tpu.memory_space<hbm>>
      %dma_wait3A_262 = arith.constant 0 : i32
      %dma_wait3A_263 = arith.constant 0 : i32
      %dma_wait3A_264 = tpu.memref_slice %arg4[%add3A, %dma_wait3A_253, %dma_wait3A_262, %dma_wait3A_263] : memref<32x40x640x32xf32, #tpu.memory_space<hbm>> -> memref<1x1x640x32xf32, #tpu.memory_space<hbm>>
      %dma_wait3A_265 = tpu.memref_squeeze %dma_wait3A_264 : memref<1x1x640x32xf32, #tpu.memory_space<hbm>> -> memref<640x32xf32, #tpu.memory_space<hbm>>
      %dma_wait3A_266 = arith.constant 0 : i32
      %dma_wait3A_267 = arith.constant 0 : i32
      %dma_wait3A_268 = tpu.memref_slice %arg6[%dma_wait3A_252, %dma_wait3A_266, %dma_wait3A_267] : memref<4x640x32xf32, #tpu.memory_space<vmem>> -> memref<1x640x32xf32, #tpu.memory_space<vmem>>
      %dma_wait3A_269 = tpu.memref_squeeze %dma_wait3A_268 : memref<1x640x32xf32, #tpu.memory_space<vmem>> -> memref<640x32xf32, #tpu.memory_space<vmem>>
      tpu.wait_dma2 semaphore(%arg11 : memref<!tpu.dma_semaphore, #tpu.memory_space<semaphore_mem>>) src(%dma_wait3A_269 : memref<640x32xf32, #tpu.memory_space<vmem>>) dst(%dma_wait3A_265 : memref<640x32xf32, #tpu.memory_space<hbm>>)
      %dma_start3A_270 = arith.constant 0 : i32
      %dma_start3A_271 = arith.constant 0 : i32
      %dma_start3A_272 = arith.constant 0 : i32
      %dma_start3A_273 = tpu.memref_slice %arg6[%dma_start3A_270, %dma_start3A_271, %dma_start3A_272] : memref<4x640x32xf32, #tpu.memory_space<vmem>> -> memref<1x640x32xf32, #tpu.memory_space<vmem>>
      %dma_start3A_274 = tpu.memref_squeeze %dma_start3A_273 : memref<1x640x32xf32, #tpu.memory_space<vmem>> -> memref<640x32xf32, #tpu.memory_space<vmem>>
      %dma_start3A_275 = arith.constant 0 : i32
      %dma_start3A_276 = tpu.memref_slice %arg5[%add3A_251, %dma_start3A_275] : memref<40x640xi32, #tpu.memory_space<vmem>> -> memref<1x640xi32, #tpu.memory_space<vmem>>
      %dma_start3A_277 = tpu.memref_squeeze %dma_start3A_276 : memref<1x640xi32, #tpu.memory_space<vmem>> -> memref<640xi32, #tpu.memory_space<vmem>>
      %dma_start3A_278 = arith.constant 0 : i32
      %dma_start3A_279 = arith.constant 0 : i32
      %dma_start3A_280 = tpu.memref_slice %arg3[%dma_start3A_278, %dma_start3A_279] : memref<1000000x32xf32, #tpu.memory_space<hbm>> -> memref<1000000x32xf32, #tpu.memory_space<hbm>>
      tpu.enqueue_indirect_dma source(%dma_start3A_280 : memref<1000000x32xf32, #tpu.memory_space<hbm>>) target(%dma_start3A_274 : memref<640x32xf32, #tpu.memory_space<vmem>>) offsets(%dma_start3A_277 : memref<640xi32, #tpu.memory_space<vmem>>) semaphore(%arg7 : memref<!tpu.dma_semaphore, #tpu.memory_space<semaphore_mem>>)
      %dma_wait3A_281 = arith.constant 0 : i32
      %dma_wait3A_282 = arith.constant 1 : i32
      %dma_wait3A_283 = arith.constant 0 : i32
      %dma_wait3A_284 = arith.constant 0 : i32
      %dma_wait3A_285 = tpu.memref_slice %arg6[%dma_wait3A_282, %dma_wait3A_283, %dma_wait3A_284] : memref<4x640x32xf32, #tpu.memory_space<vmem>> -> memref<1x640x32xf32, #tpu.memory_space<vmem>>
      %dma_wait3A_286 = tpu.memref_squeeze %dma_wait3A_285 : memref<1x640x32xf32, #tpu.memory_space<vmem>> -> memref<640x32xf32, #tpu.memory_space<vmem>>
      %dma_wait3A_287 = arith.constant 0 : i32
      %dma_wait3A_288 = tpu.memref_slice %arg5[%dma_wait3A_281, %dma_wait3A_287] : memref<40x640xi32, #tpu.memory_space<vmem>> -> memref<1x640xi32, #tpu.memory_space<vmem>>
      %dma_wait3A_289 = tpu.memref_squeeze %dma_wait3A_288 : memref<1x640xi32, #tpu.memory_space<vmem>> -> memref<640xi32, #tpu.memory_space<vmem>>
      %dma_wait3A_290 = arith.constant 0 : i32
      %dma_wait3A_291 = arith.constant 0 : i32
      %dma_wait3A_292 = tpu.memref_slice %arg3[%dma_wait3A_290, %dma_wait3A_291] : memref<1000000x32xf32, #tpu.memory_space<hbm>> -> memref<1000000x32xf32, #tpu.memory_space<hbm>>
      tpu.wait_indirect_dma semaphore(%arg8 : memref<!tpu.dma_semaphore, #tpu.memory_space<semaphore_mem>>) src(%dma_wait3A_292 : memref<1000000x32xf32, #tpu.memory_space<hbm>>) dst(%dma_wait3A_286 : memref<640x32xf32, #tpu.memory_space<vmem>>)
      %sub3A = arith.constant 3 : i32
      %sub3A_293 = arith.subi %add3A_251, %sub3A : i32
      %dma_start3A_294 = arith.constant 1 : i32
      %dma_start3A_295 = arith.constant 0 : i32
      %dma_start3A_296 = arith.constant 0 : i32
      %dma_start3A_297 = tpu.memref_slice %arg6[%dma_start3A_294, %dma_start3A_295, %dma_start3A_296] : memref<4x640x32xf32, #tpu.memory_space<vmem>> -> memref<1x640x32xf32, #tpu.memory_space<vmem>>
      %dma_start3A_298 = tpu.memref_squeeze %dma_start3A_297 : memref<1x640x32xf32, #tpu.memory_space<vmem>> -> memref<640x32xf32, #tpu.memory_space<vmem>>
      %dma_start3A_299 = arith.constant 0 : i32
      %dma_start3A_300 = arith.constant 0 : i32
      %dma_start3A_301 = tpu.memref_slice %arg4[%add3A, %sub3A_293, %dma_start3A_299, %dma_start3A_300] : memref<32x40x640x32xf32, #tpu.memory_space<hbm>> -> memref<1x1x640x32xf32, #tpu.memory_space<hbm>>
      %dma_start3A_302 = tpu.memref_squeeze %dma_start3A_301 : memref<1x1x640x32xf32, #tpu.memory_space<hbm>> -> memref<640x32xf32, #tpu.memory_space<hbm>>
      %dma_start3A_303 = arith.constant 0 : i32
      %dma_start3A_304 = arith.constant 0 : i32
      %dma_start3A_305 = tpu.memref_slice %arg4[%add3A, %sub3A_293, %dma_start3A_303, %dma_start3A_304] : memref<32x40x640x32xf32, #tpu.memory_space<hbm>> -> memref<1x1x640x32xf32, #tpu.memory_space<hbm>>
      %dma_start3A_306 = tpu.memref_squeeze %dma_start3A_305 : memref<1x1x640x32xf32, #tpu.memory_space<hbm>> -> memref<640x32xf32, #tpu.memory_space<hbm>>
      %dma_start3A_307 = arith.constant 0 : i32
      %dma_start3A_308 = arith.constant 0 : i32
      %dma_start3A_309 = tpu.memref_slice %arg6[%dma_start3A_294, %dma_start3A_307, %dma_start3A_308] : memref<4x640x32xf32, #tpu.memory_space<vmem>> -> memref<1x640x32xf32, #tpu.memory_space<vmem>>
      %dma_start3A_310 = tpu.memref_squeeze %dma_start3A_309 : memref<1x640x32xf32, #tpu.memory_space<vmem>> -> memref<640x32xf32, #tpu.memory_space<vmem>>
      tpu.enqueue_dma source(%dma_start3A_310 : memref<640x32xf32, #tpu.memory_space<vmem>>) target(%dma_start3A_306 : memref<640x32xf32, #tpu.memory_space<hbm>>) target_semaphore(%arg12 : memref<!tpu.dma_semaphore, #tpu.memory_space<semaphore_mem>>)
      %mul3A_311 = arith.constant 4 : i32
      %mul3A_312 = arith.muli %mul3A_311, %add3A_247 : i32
      %add3A_313 = arith.constant 1 : i32
      %add3A_314 = arith.addi %mul3A_312, %add3A_313 : i32
      %dma_wait3A_315 = arith.constant 1 : i32
      %dma_wait3A_316 = arith.constant 0 : i32
      %dma_wait3A_317 = arith.constant 0 : i32
      %dma_wait3A_318 = arith.constant 0 : i32
      %dma_wait3A_319 = tpu.memref_slice %arg6[%dma_wait3A_315, %dma_wait3A_317, %dma_wait3A_318] : memref<4x640x32xf32, #tpu.memory_space<vmem>> -> memref<1x640x32xf32, #tpu.memory_space<vmem>>
      %dma_wait3A_320 = tpu.memref_squeeze %dma_wait3A_319 : memref<1x640x32xf32, #tpu.memory_space<vmem>> -> memref<640x32xf32, #tpu.memory_space<vmem>>
      %dma_wait3A_321 = arith.constant 0 : i32
      %dma_wait3A_322 = arith.constant 0 : i32
      %dma_wait3A_323 = tpu.memref_slice %arg4[%add3A, %dma_wait3A_316, %dma_wait3A_321, %dma_wait3A_322] : memref<32x40x640x32xf32, #tpu.memory_space<hbm>> -> memref<1x1x640x32xf32, #tpu.memory_space<hbm>>
      %dma_wait3A_324 = tpu.memref_squeeze %dma_wait3A_323 : memref<1x1x640x32xf32, #tpu.memory_space<hbm>> -> memref<640x32xf32, #tpu.memory_space<hbm>>
      %dma_wait3A_325 = arith.constant 0 : i32
      %dma_wait3A_326 = arith.constant 0 : i32
      %dma_wait3A_327 = tpu.memref_slice %arg4[%add3A, %dma_wait3A_316, %dma_wait3A_325, %dma_wait3A_326] : memref<32x40x640x32xf32, #tpu.memory_space<hbm>> -> memref<1x1x640x32xf32, #tpu.memory_space<hbm>>
      %dma_wait3A_328 = tpu.memref_squeeze %dma_wait3A_327 : memref<1x1x640x32xf32, #tpu.memory_space<hbm>> -> memref<640x32xf32, #tpu.memory_space<hbm>>
      %dma_wait3A_329 = arith.constant 0 : i32
      %dma_wait3A_330 = arith.constant 0 : i32
      %dma_wait3A_331 = tpu.memref_slice %arg6[%dma_wait3A_315, %dma_wait3A_329, %dma_wait3A_330] : memref<4x640x32xf32, #tpu.memory_space<vmem>> -> memref<1x640x32xf32, #tpu.memory_space<vmem>>
      %dma_wait3A_332 = tpu.memref_squeeze %dma_wait3A_331 : memref<1x640x32xf32, #tpu.memory_space<vmem>> -> memref<640x32xf32, #tpu.memory_space<vmem>>
      tpu.wait_dma2 semaphore(%arg12 : memref<!tpu.dma_semaphore, #tpu.memory_space<semaphore_mem>>) src(%dma_wait3A_332 : memref<640x32xf32, #tpu.memory_space<vmem>>) dst(%dma_wait3A_328 : memref<640x32xf32, #tpu.memory_space<hbm>>)
      %dma_start3A_333 = arith.constant 1 : i32
      %dma_start3A_334 = arith.constant 0 : i32
      %dma_start3A_335 = arith.constant 0 : i32
      %dma_start3A_336 = tpu.memref_slice %arg6[%dma_start3A_333, %dma_start3A_334, %dma_start3A_335] : memref<4x640x32xf32, #tpu.memory_space<vmem>> -> memref<1x640x32xf32, #tpu.memory_space<vmem>>
      %dma_start3A_337 = tpu.memref_squeeze %dma_start3A_336 : memref<1x640x32xf32, #tpu.memory_space<vmem>> -> memref<640x32xf32, #tpu.memory_space<vmem>>
      %dma_start3A_338 = arith.constant 0 : i32
      %dma_start3A_339 = tpu.memref_slice %arg5[%add3A_314, %dma_start3A_338] : memref<40x640xi32, #tpu.memory_space<vmem>> -> memref<1x640xi32, #tpu.memory_space<vmem>>
      %dma_start3A_340 = tpu.memref_squeeze %dma_start3A_339 : memref<1x640xi32, #tpu.memory_space<vmem>> -> memref<640xi32, #tpu.memory_space<vmem>>
      %dma_start3A_341 = arith.constant 0 : i32
      %dma_start3A_342 = arith.constant 0 : i32
      %dma_start3A_343 = tpu.memref_slice %arg3[%dma_start3A_341, %dma_start3A_342] : memref<1000000x32xf32, #tpu.memory_space<hbm>> -> memref<1000000x32xf32, #tpu.memory_space<hbm>>
      tpu.enqueue_indirect_dma source(%dma_start3A_343 : memref<1000000x32xf32, #tpu.memory_space<hbm>>) target(%dma_start3A_337 : memref<640x32xf32, #tpu.memory_space<vmem>>) offsets(%dma_start3A_340 : memref<640xi32, #tpu.memory_space<vmem>>) semaphore(%arg8 : memref<!tpu.dma_semaphore, #tpu.memory_space<semaphore_mem>>)
      %dma_wait3A_344 = arith.constant 0 : i32
      %dma_wait3A_345 = arith.constant 2 : i32
      %dma_wait3A_346 = arith.constant 0 : i32
      %dma_wait3A_347 = arith.constant 0 : i32
      %dma_wait3A_348 = tpu.memref_slice %arg6[%dma_wait3A_345, %dma_wait3A_346, %dma_wait3A_347] : memref<4x640x32xf32, #tpu.memory_space<vmem>> -> memref<1x640x32xf32, #tpu.memory_space<vmem>>
      %dma_wait3A_349 = tpu.memref_squeeze %dma_wait3A_348 : memref<1x640x32xf32, #tpu.memory_space<vmem>> -> memref<640x32xf32, #tpu.memory_space<vmem>>
      %dma_wait3A_350 = arith.constant 0 : i32
      %dma_wait3A_351 = tpu.memref_slice %arg5[%dma_wait3A_344, %dma_wait3A_350] : memref<40x640xi32, #tpu.memory_space<vmem>> -> memref<1x640xi32, #tpu.memory_space<vmem>>
      %dma_wait3A_352 = tpu.memref_squeeze %dma_wait3A_351 : memref<1x640xi32, #tpu.memory_space<vmem>> -> memref<640xi32, #tpu.memory_space<vmem>>
      %dma_wait3A_353 = arith.constant 0 : i32
      %dma_wait3A_354 = arith.constant 0 : i32
      %dma_wait3A_355 = tpu.memref_slice %arg3[%dma_wait3A_353, %dma_wait3A_354] : memref<1000000x32xf32, #tpu.memory_space<hbm>> -> memref<1000000x32xf32, #tpu.memory_space<hbm>>
      tpu.wait_indirect_dma semaphore(%arg9 : memref<!tpu.dma_semaphore, #tpu.memory_space<semaphore_mem>>) src(%dma_wait3A_355 : memref<1000000x32xf32, #tpu.memory_space<hbm>>) dst(%dma_wait3A_349 : memref<640x32xf32, #tpu.memory_space<vmem>>)
      %sub3A_356 = arith.constant 3 : i32
      %sub3A_357 = arith.subi %add3A_314, %sub3A_356 : i32
      %dma_start3A_358 = arith.constant 2 : i32
      %dma_start3A_359 = arith.constant 0 : i32
      %dma_start3A_360 = arith.constant 0 : i32
      %dma_start3A_361 = tpu.memref_slice %arg6[%dma_start3A_358, %dma_start3A_359, %dma_start3A_360] : memref<4x640x32xf32, #tpu.memory_space<vmem>> -> memref<1x640x32xf32, #tpu.memory_space<vmem>>
      %dma_start3A_362 = tpu.memref_squeeze %dma_start3A_361 : memref<1x640x32xf32, #tpu.memory_space<vmem>> -> memref<640x32xf32, #tpu.memory_space<vmem>>
      %dma_start3A_363 = arith.constant 0 : i32
      %dma_start3A_364 = arith.constant 0 : i32
      %dma_start3A_365 = tpu.memref_slice %arg4[%add3A, %sub3A_357, %dma_start3A_363, %dma_start3A_364] : memref<32x40x640x32xf32, #tpu.memory_space<hbm>> -> memref<1x1x640x32xf32, #tpu.memory_space<hbm>>
      %dma_start3A_366 = tpu.memref_squeeze %dma_start3A_365 : memref<1x1x640x32xf32, #tpu.memory_space<hbm>> -> memref<640x32xf32, #tpu.memory_space<hbm>>
      %dma_start3A_367 = arith.constant 0 : i32
      %dma_start3A_368 = arith.constant 0 : i32
      %dma_start3A_369 = tpu.memref_slice %arg4[%add3A, %sub3A_357, %dma_start3A_367, %dma_start3A_368] : memref<32x40x640x32xf32, #tpu.memory_space<hbm>> -> memref<1x1x640x32xf32, #tpu.memory_space<hbm>>
      %dma_start3A_370 = tpu.memref_squeeze %dma_start3A_369 : memref<1x1x640x32xf32, #tpu.memory_space<hbm>> -> memref<640x32xf32, #tpu.memory_space<hbm>>
      %dma_start3A_371 = arith.constant 0 : i32
      %dma_start3A_372 = arith.constant 0 : i32
      %dma_start3A_373 = tpu.memref_slice %arg6[%dma_start3A_358, %dma_start3A_371, %dma_start3A_372] : memref<4x640x32xf32, #tpu.memory_space<vmem>> -> memref<1x640x32xf32, #tpu.memory_space<vmem>>
      %dma_start3A_374 = tpu.memref_squeeze %dma_start3A_373 : memref<1x640x32xf32, #tpu.memory_space<vmem>> -> memref<640x32xf32, #tpu.memory_space<vmem>>
      tpu.enqueue_dma source(%dma_start3A_374 : memref<640x32xf32, #tpu.memory_space<vmem>>) target(%dma_start3A_370 : memref<640x32xf32, #tpu.memory_space<hbm>>) target_semaphore(%arg13 : memref<!tpu.dma_semaphore, #tpu.memory_space<semaphore_mem>>)
      %mul3A_375 = arith.constant 4 : i32
      %mul3A_376 = arith.muli %mul3A_375, %add3A_247 : i32
      %add3A_377 = arith.constant 2 : i32
      %add3A_378 = arith.addi %mul3A_376, %add3A_377 : i32
      %dma_wait3A_379 = arith.constant 2 : i32
      %dma_wait3A_380 = arith.constant 0 : i32
      %dma_wait3A_381 = arith.constant 0 : i32
      %dma_wait3A_382 = arith.constant 0 : i32
      %dma_wait3A_383 = tpu.memref_slice %arg6[%dma_wait3A_379, %dma_wait3A_381, %dma_wait3A_382] : memref<4x640x32xf32, #tpu.memory_space<vmem>> -> memref<1x640x32xf32, #tpu.memory_space<vmem>>
      %dma_wait3A_384 = tpu.memref_squeeze %dma_wait3A_383 : memref<1x640x32xf32, #tpu.memory_space<vmem>> -> memref<640x32xf32, #tpu.memory_space<vmem>>
      %dma_wait3A_385 = arith.constant 0 : i32
      %dma_wait3A_386 = arith.constant 0 : i32
      %dma_wait3A_387 = tpu.memref_slice %arg4[%add3A, %dma_wait3A_380, %dma_wait3A_385, %dma_wait3A_386] : memref<32x40x640x32xf32, #tpu.memory_space<hbm>> -> memref<1x1x640x32xf32, #tpu.memory_space<hbm>>
      %dma_wait3A_388 = tpu.memref_squeeze %dma_wait3A_387 : memref<1x1x640x32xf32, #tpu.memory_space<hbm>> -> memref<640x32xf32, #tpu.memory_space<hbm>>
      %dma_wait3A_389 = arith.constant 0 : i32
      %dma_wait3A_390 = arith.constant 0 : i32
      %dma_wait3A_391 = tpu.memref_slice %arg4[%add3A, %dma_wait3A_380, %dma_wait3A_389, %dma_wait3A_390] : memref<32x40x640x32xf32, #tpu.memory_space<hbm>> -> memref<1x1x640x32xf32, #tpu.memory_space<hbm>>
      %dma_wait3A_392 = tpu.memref_squeeze %dma_wait3A_391 : memref<1x1x640x32xf32, #tpu.memory_space<hbm>> -> memref<640x32xf32, #tpu.memory_space<hbm>>
      %dma_wait3A_393 = arith.constant 0 : i32
      %dma_wait3A_394 = arith.constant 0 : i32
      %dma_wait3A_395 = tpu.memref_slice %arg6[%dma_wait3A_379, %dma_wait3A_393, %dma_wait3A_394] : memref<4x640x32xf32, #tpu.memory_space<vmem>> -> memref<1x640x32xf32, #tpu.memory_space<vmem>>
      %dma_wait3A_396 = tpu.memref_squeeze %dma_wait3A_395 : memref<1x640x32xf32, #tpu.memory_space<vmem>> -> memref<640x32xf32, #tpu.memory_space<vmem>>
      tpu.wait_dma2 semaphore(%arg13 : memref<!tpu.dma_semaphore, #tpu.memory_space<semaphore_mem>>) src(%dma_wait3A_396 : memref<640x32xf32, #tpu.memory_space<vmem>>) dst(%dma_wait3A_392 : memref<640x32xf32, #tpu.memory_space<hbm>>)
      %dma_start3A_397 = arith.constant 2 : i32
      %dma_start3A_398 = arith.constant 0 : i32
      %dma_start3A_399 = arith.constant 0 : i32
      %dma_start3A_400 = tpu.memref_slice %arg6[%dma_start3A_397, %dma_start3A_398, %dma_start3A_399] : memref<4x640x32xf32, #tpu.memory_space<vmem>> -> memref<1x640x32xf32, #tpu.memory_space<vmem>>
      %dma_start3A_401 = tpu.memref_squeeze %dma_start3A_400 : memref<1x640x32xf32, #tpu.memory_space<vmem>> -> memref<640x32xf32, #tpu.memory_space<vmem>>
      %dma_start3A_402 = arith.constant 0 : i32
      %dma_start3A_403 = tpu.memref_slice %arg5[%add3A_378, %dma_start3A_402] : memref<40x640xi32, #tpu.memory_space<vmem>> -> memref<1x640xi32, #tpu.memory_space<vmem>>
      %dma_start3A_404 = tpu.memref_squeeze %dma_start3A_403 : memref<1x640xi32, #tpu.memory_space<vmem>> -> memref<640xi32, #tpu.memory_space<vmem>>
      %dma_start3A_405 = arith.constant 0 : i32
      %dma_start3A_406 = arith.constant 0 : i32
      %dma_start3A_407 = tpu.memref_slice %arg3[%dma_start3A_405, %dma_start3A_406] : memref<1000000x32xf32, #tpu.memory_space<hbm>> -> memref<1000000x32xf32, #tpu.memory_space<hbm>>
      tpu.enqueue_indirect_dma source(%dma_start3A_407 : memref<1000000x32xf32, #tpu.memory_space<hbm>>) target(%dma_start3A_401 : memref<640x32xf32, #tpu.memory_space<vmem>>) offsets(%dma_start3A_404 : memref<640xi32, #tpu.memory_space<vmem>>) semaphore(%arg9 : memref<!tpu.dma_semaphore, #tpu.memory_space<semaphore_mem>>)
      %dma_wait3A_408 = arith.constant 0 : i32
      %dma_wait3A_409 = arith.constant 3 : i32
      %dma_wait3A_410 = arith.constant 0 : i32
      %dma_wait3A_411 = arith.constant 0 : i32
      %dma_wait3A_412 = tpu.memref_slice %arg6[%dma_wait3A_409, %dma_wait3A_410, %dma_wait3A_411] : memref<4x640x32xf32, #tpu.memory_space<vmem>> -> memref<1x640x32xf32, #tpu.memory_space<vmem>>
      %dma_wait3A_413 = tpu.memref_squeeze %dma_wait3A_412 : memref<1x640x32xf32, #tpu.memory_space<vmem>> -> memref<640x32xf32, #tpu.memory_space<vmem>>
      %dma_wait3A_414 = arith.constant 0 : i32
      %dma_wait3A_415 = tpu.memref_slice %arg5[%dma_wait3A_408, %dma_wait3A_414] : memref<40x640xi32, #tpu.memory_space<vmem>> -> memref<1x640xi32, #tpu.memory_space<vmem>>
      %dma_wait3A_416 = tpu.memref_squeeze %dma_wait3A_415 : memref<1x640xi32, #tpu.memory_space<vmem>> -> memref<640xi32, #tpu.memory_space<vmem>>
      %dma_wait3A_417 = arith.constant 0 : i32
      %dma_wait3A_418 = arith.constant 0 : i32
      %dma_wait3A_419 = tpu.memref_slice %arg3[%dma_wait3A_417, %dma_wait3A_418] : memref<1000000x32xf32, #tpu.memory_space<hbm>> -> memref<1000000x32xf32, #tpu.memory_space<hbm>>
      tpu.wait_indirect_dma semaphore(%arg10 : memref<!tpu.dma_semaphore, #tpu.memory_space<semaphore_mem>>) src(%dma_wait3A_419 : memref<1000000x32xf32, #tpu.memory_space<hbm>>) dst(%dma_wait3A_413 : memref<640x32xf32, #tpu.memory_space<vmem>>)
      %sub3A_420 = arith.constant 3 : i32
      %sub3A_421 = arith.subi %add3A_378, %sub3A_420 : i32
      %dma_start3A_422 = arith.constant 3 : i32
      %dma_start3A_423 = arith.constant 0 : i32
      %dma_start3A_424 = arith.constant 0 : i32
      %dma_start3A_425 = tpu.memref_slice %arg6[%dma_start3A_422, %dma_start3A_423, %dma_start3A_424] : memref<4x640x32xf32, #tpu.memory_space<vmem>> -> memref<1x640x32xf32, #tpu.memory_space<vmem>>
      %dma_start3A_426 = tpu.memref_squeeze %dma_start3A_425 : memref<1x640x32xf32, #tpu.memory_space<vmem>> -> memref<640x32xf32, #tpu.memory_space<vmem>>
      %dma_start3A_427 = arith.constant 0 : i32
      %dma_start3A_428 = arith.constant 0 : i32
      %dma_start3A_429 = tpu.memref_slice %arg4[%add3A, %sub3A_421, %dma_start3A_427, %dma_start3A_428] : memref<32x40x640x32xf32, #tpu.memory_space<hbm>> -> memref<1x1x640x32xf32, #tpu.memory_space<hbm>>
      %dma_start3A_430 = tpu.memref_squeeze %dma_start3A_429 : memref<1x1x640x32xf32, #tpu.memory_space<hbm>> -> memref<640x32xf32, #tpu.memory_space<hbm>>
      %dma_start3A_431 = arith.constant 0 : i32
      %dma_start3A_432 = arith.constant 0 : i32
      %dma_start3A_433 = tpu.memref_slice %arg4[%add3A, %sub3A_421, %dma_start3A_431, %dma_start3A_432] : memref<32x40x640x32xf32, #tpu.memory_space<hbm>> -> memref<1x1x640x32xf32, #tpu.memory_space<hbm>>
      %dma_start3A_434 = tpu.memref_squeeze %dma_start3A_433 : memref<1x1x640x32xf32, #tpu.memory_space<hbm>> -> memref<640x32xf32, #tpu.memory_space<hbm>>
      %dma_start3A_435 = arith.constant 0 : i32
      %dma_start3A_436 = arith.constant 0 : i32
      %dma_start3A_437 = tpu.memref_slice %arg6[%dma_start3A_422, %dma_start3A_435, %dma_start3A_436] : memref<4x640x32xf32, #tpu.memory_space<vmem>> -> memref<1x640x32xf32, #tpu.memory_space<vmem>>
      %dma_start3A_438 = tpu.memref_squeeze %dma_start3A_437 : memref<1x640x32xf32, #tpu.memory_space<vmem>> -> memref<640x32xf32, #tpu.memory_space<vmem>>
      tpu.enqueue_dma source(%dma_start3A_438 : memref<640x32xf32, #tpu.memory_space<vmem>>) target(%dma_start3A_434 : memref<640x32xf32, #tpu.memory_space<hbm>>) target_semaphore(%arg14 : memref<!tpu.dma_semaphore, #tpu.memory_space<semaphore_mem>>)
      %mul3A_439 = arith.constant 4 : i32
      %mul3A_440 = arith.muli %mul3A_439, %add3A_247 : i32
      %add3A_441 = arith.constant 3 : i32
      %add3A_442 = arith.addi %mul3A_440, %add3A_441 : i32
      %dma_wait3A_443 = arith.constant 3 : i32
      %dma_wait3A_444 = arith.constant 0 : i32
      %dma_wait3A_445 = arith.constant 0 : i32
      %dma_wait3A_446 = arith.constant 0 : i32
      %dma_wait3A_447 = tpu.memref_slice %arg6[%dma_wait3A_443, %dma_wait3A_445, %dma_wait3A_446] : memref<4x640x32xf32, #tpu.memory_space<vmem>> -> memref<1x640x32xf32, #tpu.memory_space<vmem>>
      %dma_wait3A_448 = tpu.memref_squeeze %dma_wait3A_447 : memref<1x640x32xf32, #tpu.memory_space<vmem>> -> memref<640x32xf32, #tpu.memory_space<vmem>>
      %dma_wait3A_449 = arith.constant 0 : i32
      %dma_wait3A_450 = arith.constant 0 : i32
      %dma_wait3A_451 = tpu.memref_slice %arg4[%add3A, %dma_wait3A_444, %dma_wait3A_449, %dma_wait3A_450] : memref<32x40x640x32xf32, #tpu.memory_space<hbm>> -> memref<1x1x640x32xf32, #tpu.memory_space<hbm>>
      %dma_wait3A_452 = tpu.memref_squeeze %dma_wait3A_451 : memref<1x1x640x32xf32, #tpu.memory_space<hbm>> -> memref<640x32xf32, #tpu.memory_space<hbm>>
      %dma_wait3A_453 = arith.constant 0 : i32
      %dma_wait3A_454 = arith.constant 0 : i32
      %dma_wait3A_455 = tpu.memref_slice %arg4[%add3A, %dma_wait3A_444, %dma_wait3A_453, %dma_wait3A_454] : memref<32x40x640x32xf32, #tpu.memory_space<hbm>> -> memref<1x1x640x32xf32, #tpu.memory_space<hbm>>
      %dma_wait3A_456 = tpu.memref_squeeze %dma_wait3A_455 : memref<1x1x640x32xf32, #tpu.memory_space<hbm>> -> memref<640x32xf32, #tpu.memory_space<hbm>>
      %dma_wait3A_457 = arith.constant 0 : i32
      %dma_wait3A_458 = arith.constant 0 : i32
      %dma_wait3A_459 = tpu.memref_slice %arg6[%dma_wait3A_443, %dma_wait3A_457, %dma_wait3A_458] : memref<4x640x32xf32, #tpu.memory_space<vmem>> -> memref<1x640x32xf32, #tpu.memory_space<vmem>>
      %dma_wait3A_460 = tpu.memref_squeeze %dma_wait3A_459 : memref<1x640x32xf32, #tpu.memory_space<vmem>> -> memref<640x32xf32, #tpu.memory_space<vmem>>
      tpu.wait_dma2 semaphore(%arg14 : memref<!tpu.dma_semaphore, #tpu.memory_space<semaphore_mem>>) src(%dma_wait3A_460 : memref<640x32xf32, #tpu.memory_space<vmem>>) dst(%dma_wait3A_456 : memref<640x32xf32, #tpu.memory_space<hbm>>)
      %dma_start3A_461 = arith.constant 3 : i32
      %dma_start3A_462 = arith.constant 0 : i32
      %dma_start3A_463 = arith.constant 0 : i32
      %dma_start3A_464 = tpu.memref_slice %arg6[%dma_start3A_461, %dma_start3A_462, %dma_start3A_463] : memref<4x640x32xf32, #tpu.memory_space<vmem>> -> memref<1x640x32xf32, #tpu.memory_space<vmem>>
      %dma_start3A_465 = tpu.memref_squeeze %dma_start3A_464 : memref<1x640x32xf32, #tpu.memory_space<vmem>> -> memref<640x32xf32, #tpu.memory_space<vmem>>
      %dma_start3A_466 = arith.constant 0 : i32
      %dma_start3A_467 = tpu.memref_slice %arg5[%add3A_442, %dma_start3A_466] : memref<40x640xi32, #tpu.memory_space<vmem>> -> memref<1x640xi32, #tpu.memory_space<vmem>>
      %dma_start3A_468 = tpu.memref_squeeze %dma_start3A_467 : memref<1x640xi32, #tpu.memory_space<vmem>> -> memref<640xi32, #tpu.memory_space<vmem>>
      %dma_start3A_469 = arith.constant 0 : i32
      %dma_start3A_470 = arith.constant 0 : i32
      %dma_start3A_471 = tpu.memref_slice %arg3[%dma_start3A_469, %dma_start3A_470] : memref<1000000x32xf32, #tpu.memory_space<hbm>> -> memref<1000000x32xf32, #tpu.memory_space<hbm>>
      tpu.enqueue_indirect_dma source(%dma_start3A_471 : memref<1000000x32xf32, #tpu.memory_space<hbm>>) target(%dma_start3A_465 : memref<640x32xf32, #tpu.memory_space<vmem>>) offsets(%dma_start3A_468 : memref<640xi32, #tpu.memory_space<vmem>>) semaphore(%arg10 : memref<!tpu.dma_semaphore, #tpu.memory_space<semaphore_mem>>)
      %dma_wait3A_472 = arith.constant 0 : i32
      %dma_wait3A_473 = arith.constant 0 : i32
      %dma_wait3A_474 = arith.constant 0 : i32
      %dma_wait3A_475 = arith.constant 0 : i32
      %dma_wait3A_476 = tpu.memref_slice %arg6[%dma_wait3A_473, %dma_wait3A_474, %dma_wait3A_475] : memref<4x640x32xf32, #tpu.memory_space<vmem>> -> memref<1x640x32xf32, #tpu.memory_space<vmem>>
      %dma_wait3A_477 = tpu.memref_squeeze %dma_wait3A_476 : memref<1x640x32xf32, #tpu.memory_space<vmem>> -> memref<640x32xf32, #tpu.memory_space<vmem>>
      %dma_wait3A_478 = arith.constant 0 : i32
      %dma_wait3A_479 = tpu.memref_slice %arg5[%dma_wait3A_472, %dma_wait3A_478] : memref<40x640xi32, #tpu.memory_space<vmem>> -> memref<1x640xi32, #tpu.memory_space<vmem>>
      %dma_wait3A_480 = tpu.memref_squeeze %dma_wait3A_479 : memref<1x640xi32, #tpu.memory_space<vmem>> -> memref<640xi32, #tpu.memory_space<vmem>>
      %dma_wait3A_481 = arith.constant 0 : i32
      %dma_wait3A_482 = arith.constant 0 : i32
      %dma_wait3A_483 = tpu.memref_slice %arg3[%dma_wait3A_481, %dma_wait3A_482] : memref<1000000x32xf32, #tpu.memory_space<hbm>> -> memref<1000000x32xf32, #tpu.memory_space<hbm>>
      tpu.wait_indirect_dma semaphore(%arg7 : memref<!tpu.dma_semaphore, #tpu.memory_space<semaphore_mem>>) src(%dma_wait3A_483 : memref<1000000x32xf32, #tpu.memory_space<hbm>>) dst(%dma_wait3A_477 : memref<640x32xf32, #tpu.memory_space<vmem>>)
      %sub3A_484 = arith.constant 3 : i32
      %sub3A_485 = arith.subi %add3A_442, %sub3A_484 : i32
      %dma_start3A_486 = arith.constant 0 : i32
      %dma_start3A_487 = arith.constant 0 : i32
      %dma_start3A_488 = arith.constant 0 : i32
      %dma_start3A_489 = tpu.memref_slice %arg6[%dma_start3A_486, %dma_start3A_487, %dma_start3A_488] : memref<4x640x32xf32, #tpu.memory_space<vmem>> -> memref<1x640x32xf32, #tpu.memory_space<vmem>>
      %dma_start3A_490 = tpu.memref_squeeze %dma_start3A_489 : memref<1x640x32xf32, #tpu.memory_space<vmem>> -> memref<640x32xf32, #tpu.memory_space<vmem>>
      %dma_start3A_491 = arith.constant 0 : i32
      %dma_start3A_492 = arith.constant 0 : i32
      %dma_start3A_493 = tpu.memref_slice %arg4[%add3A, %sub3A_485, %dma_start3A_491, %dma_start3A_492] : memref<32x40x640x32xf32, #tpu.memory_space<hbm>> -> memref<1x1x640x32xf32, #tpu.memory_space<hbm>>
      %dma_start3A_494 = tpu.memref_squeeze %dma_start3A_493 : memref<1x1x640x32xf32, #tpu.memory_space<hbm>> -> memref<640x32xf32, #tpu.memory_space<hbm>>
      %dma_start3A_495 = arith.constant 0 : i32
      %dma_start3A_496 = arith.constant 0 : i32
      %dma_start3A_497 = tpu.memref_slice %arg4[%add3A, %sub3A_485, %dma_start3A_495, %dma_start3A_496] : memref<32x40x640x32xf32, #tpu.memory_space<hbm>> -> memref<1x1x640x32xf32, #tpu.memory_space<hbm>>
      %dma_start3A_498 = tpu.memref_squeeze %dma_start3A_497 : memref<1x1x640x32xf32, #tpu.memory_space<hbm>> -> memref<640x32xf32, #tpu.memory_space<hbm>>
      %dma_start3A_499 = arith.constant 0 : i32
      %dma_start3A_500 = arith.constant 0 : i32
      %dma_start3A_501 = tpu.memref_slice %arg6[%dma_start3A_486, %dma_start3A_499, %dma_start3A_500] : memref<4x640x32xf32, #tpu.memory_space<vmem>> -> memref<1x640x32xf32, #tpu.memory_space<vmem>>
      %dma_start3A_502 = tpu.memref_squeeze %dma_start3A_501 : memref<1x640x32xf32, #tpu.memory_space<vmem>> -> memref<640x32xf32, #tpu.memory_space<vmem>>
      tpu.enqueue_dma source(%dma_start3A_502 : memref<640x32xf32, #tpu.memory_space<vmem>>) target(%dma_start3A_498 : memref<640x32xf32, #tpu.memory_space<hbm>>) target_semaphore(%arg11 : memref<!tpu.dma_semaphore, #tpu.memory_space<semaphore_mem>>)
    }
    %scan3A_80 = arith.constant 9 : i32
    %dma_wait3A_81 = arith.constant 0 : i32
    %dma_wait3A_82 = arith.constant 1 : i32
    %dma_wait3A_83 = arith.constant 0 : i32
    %dma_wait3A_84 = arith.constant 0 : i32
    %dma_wait3A_85 = tpu.memref_slice %arg6[%dma_wait3A_82, %dma_wait3A_83, %dma_wait3A_84] : memref<4x640x32xf32, #tpu.memory_space<vmem>> -> memref<1x640x32xf32, #tpu.memory_space<vmem>>
    %dma_wait3A_86 = tpu.memref_squeeze %dma_wait3A_85 : memref<1x640x32xf32, #tpu.memory_space<vmem>> -> memref<640x32xf32, #tpu.memory_space<vmem>>
    %dma_wait3A_87 = arith.constant 0 : i32
    %dma_wait3A_88 = tpu.memref_slice %arg5[%dma_wait3A_81, %dma_wait3A_87] : memref<40x640xi32, #tpu.memory_space<vmem>> -> memref<1x640xi32, #tpu.memory_space<vmem>>
    %dma_wait3A_89 = tpu.memref_squeeze %dma_wait3A_88 : memref<1x640xi32, #tpu.memory_space<vmem>> -> memref<640xi32, #tpu.memory_space<vmem>>
    %dma_wait3A_90 = arith.constant 0 : i32
    %dma_wait3A_91 = arith.constant 0 : i32
    %dma_wait3A_92 = tpu.memref_slice %arg3[%dma_wait3A_90, %dma_wait3A_91] : memref<1000000x32xf32, #tpu.memory_space<hbm>> -> memref<1000000x32xf32, #tpu.memory_space<hbm>>
    tpu.wait_indirect_dma semaphore(%arg8 : memref<!tpu.dma_semaphore, #tpu.memory_space<semaphore_mem>>) src(%dma_wait3A_92 : memref<1000000x32xf32, #tpu.memory_space<hbm>>) dst(%dma_wait3A_86 : memref<640x32xf32, #tpu.memory_space<vmem>>)
    %dma_start3A_93 = arith.constant 1 : i32
    %dma_start3A_94 = arith.constant 37 : i32
    %dma_start3A_95 = arith.constant 0 : i32
    %dma_start3A_96 = arith.constant 0 : i32
    %dma_start3A_97 = tpu.memref_slice %arg6[%dma_start3A_93, %dma_start3A_95, %dma_start3A_96] : memref<4x640x32xf32, #tpu.memory_space<vmem>> -> memref<1x640x32xf32, #tpu.memory_space<vmem>>
    %dma_start3A_98 = tpu.memref_squeeze %dma_start3A_97 : memref<1x640x32xf32, #tpu.memory_space<vmem>> -> memref<640x32xf32, #tpu.memory_space<vmem>>
    %dma_start3A_99 = arith.constant 0 : i32
    %dma_start3A_100 = arith.constant 0 : i32
    %dma_start3A_101 = tpu.memref_slice %arg4[%add3A, %dma_start3A_94, %dma_start3A_99, %dma_start3A_100] : memref<32x40x640x32xf32, #tpu.memory_space<hbm>> -> memref<1x1x640x32xf32, #tpu.memory_space<hbm>>
    %dma_start3A_102 = tpu.memref_squeeze %dma_start3A_101 : memref<1x1x640x32xf32, #tpu.memory_space<hbm>> -> memref<640x32xf32, #tpu.memory_space<hbm>>
    %dma_start3A_103 = arith.constant 0 : i32
    %dma_start3A_104 = arith.constant 0 : i32
    %dma_start3A_105 = tpu.memref_slice %arg4[%add3A, %dma_start3A_94, %dma_start3A_103, %dma_start3A_104] : memref<32x40x640x32xf32, #tpu.memory_space<hbm>> -> memref<1x1x640x32xf32, #tpu.memory_space<hbm>>
    %dma_start3A_106 = tpu.memref_squeeze %dma_start3A_105 : memref<1x1x640x32xf32, #tpu.memory_space<hbm>> -> memref<640x32xf32, #tpu.memory_space<hbm>>
    %dma_start3A_107 = arith.constant 0 : i32
    %dma_start3A_108 = arith.constant 0 : i32
    %dma_start3A_109 = tpu.memref_slice %arg6[%dma_start3A_93, %dma_start3A_107, %dma_start3A_108] : memref<4x640x32xf32, #tpu.memory_space<vmem>> -> memref<1x640x32xf32, #tpu.memory_space<vmem>>
    %dma_start3A_110 = tpu.memref_squeeze %dma_start3A_109 : memref<1x640x32xf32, #tpu.memory_space<vmem>> -> memref<640x32xf32, #tpu.memory_space<vmem>>
    tpu.enqueue_dma source(%dma_start3A_110 : memref<640x32xf32, #tpu.memory_space<vmem>>) target(%dma_start3A_106 : memref<640x32xf32, #tpu.memory_space<hbm>>) target_semaphore(%arg12 : memref<!tpu.dma_semaphore, #tpu.memory_space<semaphore_mem>>)
    %dma_wait3A_111 = arith.constant 0 : i32
    %dma_wait3A_112 = arith.constant 2 : i32
    %dma_wait3A_113 = arith.constant 0 : i32
    %dma_wait3A_114 = arith.constant 0 : i32
    %dma_wait3A_115 = tpu.memref_slice %arg6[%dma_wait3A_112, %dma_wait3A_113, %dma_wait3A_114] : memref<4x640x32xf32, #tpu.memory_space<vmem>> -> memref<1x640x32xf32, #tpu.memory_space<vmem>>
    %dma_wait3A_116 = tpu.memref_squeeze %dma_wait3A_115 : memref<1x640x32xf32, #tpu.memory_space<vmem>> -> memref<640x32xf32, #tpu.memory_space<vmem>>
    %dma_wait3A_117 = arith.constant 0 : i32
    %dma_wait3A_118 = tpu.memref_slice %arg5[%dma_wait3A_111, %dma_wait3A_117] : memref<40x640xi32, #tpu.memory_space<vmem>> -> memref<1x640xi32, #tpu.memory_space<vmem>>
    %dma_wait3A_119 = tpu.memref_squeeze %dma_wait3A_118 : memref<1x640xi32, #tpu.memory_space<vmem>> -> memref<640xi32, #tpu.memory_space<vmem>>
    %dma_wait3A_120 = arith.constant 0 : i32
    %dma_wait3A_121 = arith.constant 0 : i32
    %dma_wait3A_122 = tpu.memref_slice %arg3[%dma_wait3A_120, %dma_wait3A_121] : memref<1000000x32xf32, #tpu.memory_space<hbm>> -> memref<1000000x32xf32, #tpu.memory_space<hbm>>
    tpu.wait_indirect_dma semaphore(%arg9 : memref<!tpu.dma_semaphore, #tpu.memory_space<semaphore_mem>>) src(%dma_wait3A_122 : memref<1000000x32xf32, #tpu.memory_space<hbm>>) dst(%dma_wait3A_116 : memref<640x32xf32, #tpu.memory_space<vmem>>)
    %dma_start3A_123 = arith.constant 2 : i32
    %dma_start3A_124 = arith.constant 38 : i32
    %dma_start3A_125 = arith.constant 0 : i32
    %dma_start3A_126 = arith.constant 0 : i32
    %dma_start3A_127 = tpu.memref_slice %arg6[%dma_start3A_123, %dma_start3A_125, %dma_start3A_126] : memref<4x640x32xf32, #tpu.memory_space<vmem>> -> memref<1x640x32xf32, #tpu.memory_space<vmem>>
    %dma_start3A_128 = tpu.memref_squeeze %dma_start3A_127 : memref<1x640x32xf32, #tpu.memory_space<vmem>> -> memref<640x32xf32, #tpu.memory_space<vmem>>
    %dma_start3A_129 = arith.constant 0 : i32
    %dma_start3A_130 = arith.constant 0 : i32
    %dma_start3A_131 = tpu.memref_slice %arg4[%add3A, %dma_start3A_124, %dma_start3A_129, %dma_start3A_130] : memref<32x40x640x32xf32, #tpu.memory_space<hbm>> -> memref<1x1x640x32xf32, #tpu.memory_space<hbm>>
    %dma_start3A_132 = tpu.memref_squeeze %dma_start3A_131 : memref<1x1x640x32xf32, #tpu.memory_space<hbm>> -> memref<640x32xf32, #tpu.memory_space<hbm>>
    %dma_start3A_133 = arith.constant 0 : i32
    %dma_start3A_134 = arith.constant 0 : i32
    %dma_start3A_135 = tpu.memref_slice %arg4[%add3A, %dma_start3A_124, %dma_start3A_133, %dma_start3A_134] : memref<32x40x640x32xf32, #tpu.memory_space<hbm>> -> memref<1x1x640x32xf32, #tpu.memory_space<hbm>>
    %dma_start3A_136 = tpu.memref_squeeze %dma_start3A_135 : memref<1x1x640x32xf32, #tpu.memory_space<hbm>> -> memref<640x32xf32, #tpu.memory_space<hbm>>
    %dma_start3A_137 = arith.constant 0 : i32
    %dma_start3A_138 = arith.constant 0 : i32
    %dma_start3A_139 = tpu.memref_slice %arg6[%dma_start3A_123, %dma_start3A_137, %dma_start3A_138] : memref<4x640x32xf32, #tpu.memory_space<vmem>> -> memref<1x640x32xf32, #tpu.memory_space<vmem>>
    %dma_start3A_140 = tpu.memref_squeeze %dma_start3A_139 : memref<1x640x32xf32, #tpu.memory_space<vmem>> -> memref<640x32xf32, #tpu.memory_space<vmem>>
    tpu.enqueue_dma source(%dma_start3A_140 : memref<640x32xf32, #tpu.memory_space<vmem>>) target(%dma_start3A_136 : memref<640x32xf32, #tpu.memory_space<hbm>>) target_semaphore(%arg13 : memref<!tpu.dma_semaphore, #tpu.memory_space<semaphore_mem>>)
    %dma_wait3A_141 = arith.constant 0 : i32
    %dma_wait3A_142 = arith.constant 3 : i32
    %dma_wait3A_143 = arith.constant 0 : i32
    %dma_wait3A_144 = arith.constant 0 : i32
    %dma_wait3A_145 = tpu.memref_slice %arg6[%dma_wait3A_142, %dma_wait3A_143, %dma_wait3A_144] : memref<4x640x32xf32, #tpu.memory_space<vmem>> -> memref<1x640x32xf32, #tpu.memory_space<vmem>>
    %dma_wait3A_146 = tpu.memref_squeeze %dma_wait3A_145 : memref<1x640x32xf32, #tpu.memory_space<vmem>> -> memref<640x32xf32, #tpu.memory_space<vmem>>
    %dma_wait3A_147 = arith.constant 0 : i32
    %dma_wait3A_148 = tpu.memref_slice %arg5[%dma_wait3A_141, %dma_wait3A_147] : memref<40x640xi32, #tpu.memory_space<vmem>> -> memref<1x640xi32, #tpu.memory_space<vmem>>
    %dma_wait3A_149 = tpu.memref_squeeze %dma_wait3A_148 : memref<1x640xi32, #tpu.memory_space<vmem>> -> memref<640xi32, #tpu.memory_space<vmem>>
    %dma_wait3A_150 = arith.constant 0 : i32
    %dma_wait3A_151 = arith.constant 0 : i32
    %dma_wait3A_152 = tpu.memref_slice %arg3[%dma_wait3A_150, %dma_wait3A_151] : memref<1000000x32xf32, #tpu.memory_space<hbm>> -> memref<1000000x32xf32, #tpu.memory_space<hbm>>
    tpu.wait_indirect_dma semaphore(%arg10 : memref<!tpu.dma_semaphore, #tpu.memory_space<semaphore_mem>>) src(%dma_wait3A_152 : memref<1000000x32xf32, #tpu.memory_space<hbm>>) dst(%dma_wait3A_146 : memref<640x32xf32, #tpu.memory_space<vmem>>)
    %dma_start3A_153 = arith.constant 3 : i32
    %dma_start3A_154 = arith.constant 39 : i32
    %dma_start3A_155 = arith.constant 0 : i32
    %dma_start3A_156 = arith.constant 0 : i32
    %dma_start3A_157 = tpu.memref_slice %arg6[%dma_start3A_153, %dma_start3A_155, %dma_start3A_156] : memref<4x640x32xf32, #tpu.memory_space<vmem>> -> memref<1x640x32xf32, #tpu.memory_space<vmem>>
    %dma_start3A_158 = tpu.memref_squeeze %dma_start3A_157 : memref<1x640x32xf32, #tpu.memory_space<vmem>> -> memref<640x32xf32, #tpu.memory_space<vmem>>
    %dma_start3A_159 = arith.constant 0 : i32
    %dma_start3A_160 = arith.constant 0 : i32
    %dma_start3A_161 = tpu.memref_slice %arg4[%add3A, %dma_start3A_154, %dma_start3A_159, %dma_start3A_160] : memref<32x40x640x32xf32, #tpu.memory_space<hbm>> -> memref<1x1x640x32xf32, #tpu.memory_space<hbm>>
    %dma_start3A_162 = tpu.memref_squeeze %dma_start3A_161 : memref<1x1x640x32xf32, #tpu.memory_space<hbm>> -> memref<640x32xf32, #tpu.memory_space<hbm>>
    %dma_start3A_163 = arith.constant 0 : i32
    %dma_start3A_164 = arith.constant 0 : i32
    %dma_start3A_165 = tpu.memref_slice %arg4[%add3A, %dma_start3A_154, %dma_start3A_163, %dma_start3A_164] : memref<32x40x640x32xf32, #tpu.memory_space<hbm>> -> memref<1x1x640x32xf32, #tpu.memory_space<hbm>>
    %dma_start3A_166 = tpu.memref_squeeze %dma_start3A_165 : memref<1x1x640x32xf32, #tpu.memory_space<hbm>> -> memref<640x32xf32, #tpu.memory_space<hbm>>
    %dma_start3A_167 = arith.constant 0 : i32
    %dma_start3A_168 = arith.constant 0 : i32
    %dma_start3A_169 = tpu.memref_slice %arg6[%dma_start3A_153, %dma_start3A_167, %dma_start3A_168] : memref<4x640x32xf32, #tpu.memory_space<vmem>> -> memref<1x640x32xf32, #tpu.memory_space<vmem>>
    %dma_start3A_170 = tpu.memref_squeeze %dma_start3A_169 : memref<1x640x32xf32, #tpu.memory_space<vmem>> -> memref<640x32xf32, #tpu.memory_space<vmem>>
    tpu.enqueue_dma source(%dma_start3A_170 : memref<640x32xf32, #tpu.memory_space<vmem>>) target(%dma_start3A_166 : memref<640x32xf32, #tpu.memory_space<hbm>>) target_semaphore(%arg14 : memref<!tpu.dma_semaphore, #tpu.memory_space<semaphore_mem>>)
    %dma_wait3A_171 = arith.constant 0 : i32
    %dma_wait3A_172 = arith.constant 0 : i32
    %dma_wait3A_173 = arith.constant 0 : i32
    %dma_wait3A_174 = arith.constant 0 : i32
    %dma_wait3A_175 = tpu.memref_slice %arg6[%dma_wait3A_171, %dma_wait3A_173, %dma_wait3A_174] : memref<4x640x32xf32, #tpu.memory_space<vmem>> -> memref<1x640x32xf32, #tpu.memory_space<vmem>>
    %dma_wait3A_176 = tpu.memref_squeeze %dma_wait3A_175 : memref<1x640x32xf32, #tpu.memory_space<vmem>> -> memref<640x32xf32, #tpu.memory_space<vmem>>
    %dma_wait3A_177 = arith.constant 0 : i32
    %dma_wait3A_178 = arith.constant 0 : i32
    %dma_wait3A_179 = tpu.memref_slice %arg4[%add3A, %dma_wait3A_172, %dma_wait3A_177, %dma_wait3A_178] : memref<32x40x640x32xf32, #tpu.memory_space<hbm>> -> memref<1x1x640x32xf32, #tpu.memory_space<hbm>>
    %dma_wait3A_180 = tpu.memref_squeeze %dma_wait3A_179 : memref<1x1x640x32xf32, #tpu.memory_space<hbm>> -> memref<640x32xf32, #tpu.memory_space<hbm>>
    %dma_wait3A_181 = arith.constant 0 : i32
    %dma_wait3A_182 = arith.constant 0 : i32
    %dma_wait3A_183 = tpu.memref_slice %arg4[%add3A, %dma_wait3A_172, %dma_wait3A_181, %dma_wait3A_182] : memref<32x40x640x32xf32, #tpu.memory_space<hbm>> -> memref<1x1x640x32xf32, #tpu.memory_space<hbm>>
    %dma_wait3A_184 = tpu.memref_squeeze %dma_wait3A_183 : memref<1x1x640x32xf32, #tpu.memory_space<hbm>> -> memref<640x32xf32, #tpu.memory_space<hbm>>
    %dma_wait3A_185 = arith.constant 0 : i32
    %dma_wait3A_186 = arith.constant 0 : i32
    %dma_wait3A_187 = tpu.memref_slice %arg6[%dma_wait3A_171, %dma_wait3A_185, %dma_wait3A_186] : memref<4x640x32xf32, #tpu.memory_space<vmem>> -> memref<1x640x32xf32, #tpu.memory_space<vmem>>
    %dma_wait3A_188 = tpu.memref_squeeze %dma_wait3A_187 : memref<1x640x32xf32, #tpu.memory_space<vmem>> -> memref<640x32xf32, #tpu.memory_space<vmem>>
    tpu.wait_dma2 semaphore(%arg11 : memref<!tpu.dma_semaphore, #tpu.memory_space<semaphore_mem>>) src(%dma_wait3A_188 : memref<640x32xf32, #tpu.memory_space<vmem>>) dst(%dma_wait3A_184 : memref<640x32xf32, #tpu.memory_space<hbm>>)
    %dma_wait3A_189 = arith.constant 1 : i32
    %dma_wait3A_190 = arith.constant 0 : i32
    %dma_wait3A_191 = arith.constant 0 : i32
    %dma_wait3A_192 = arith.constant 0 : i32
    %dma_wait3A_193 = tpu.memref_slice %arg6[%dma_wait3A_189, %dma_wait3A_191, %dma_wait3A_192] : memref<4x640x32xf32, #tpu.memory_space<vmem>> -> memref<1x640x32xf32, #tpu.memory_space<vmem>>
    %dma_wait3A_194 = tpu.memref_squeeze %dma_wait3A_193 : memref<1x640x32xf32, #tpu.memory_space<vmem>> -> memref<640x32xf32, #tpu.memory_space<vmem>>
    %dma_wait3A_195 = arith.constant 0 : i32
    %dma_wait3A_196 = arith.constant 0 : i32
    %dma_wait3A_197 = tpu.memref_slice %arg4[%add3A, %dma_wait3A_190, %dma_wait3A_195, %dma_wait3A_196] : memref<32x40x640x32xf32, #tpu.memory_space<hbm>> -> memref<1x1x640x32xf32, #tpu.memory_space<hbm>>
    %dma_wait3A_198 = tpu.memref_squeeze %dma_wait3A_197 : memref<1x1x640x32xf32, #tpu.memory_space<hbm>> -> memref<640x32xf32, #tpu.memory_space<hbm>>
    %dma_wait3A_199 = arith.constant 0 : i32
    %dma_wait3A_200 = arith.constant 0 : i32
    %dma_wait3A_201 = tpu.memref_slice %arg4[%add3A, %dma_wait3A_190, %dma_wait3A_199, %dma_wait3A_200] : memref<32x40x640x32xf32, #tpu.memory_space<hbm>> -> memref<1x1x640x32xf32, #tpu.memory_space<hbm>>
    %dma_wait3A_202 = tpu.memref_squeeze %dma_wait3A_201 : memref<1x1x640x32xf32, #tpu.memory_space<hbm>> -> memref<640x32xf32, #tpu.memory_space<hbm>>
    %dma_wait3A_203 = arith.constant 0 : i32
    %dma_wait3A_204 = arith.constant 0 : i32
    %dma_wait3A_205 = tpu.memref_slice %arg6[%dma_wait3A_189, %dma_wait3A_203, %dma_wait3A_204] : memref<4x640x32xf32, #tpu.memory_space<vmem>> -> memref<1x640x32xf32, #tpu.memory_space<vmem>>
    %dma_wait3A_206 = tpu.memref_squeeze %dma_wait3A_205 : memref<1x640x32xf32, #tpu.memory_space<vmem>> -> memref<640x32xf32, #tpu.memory_space<vmem>>
    tpu.wait_dma2 semaphore(%arg12 : memref<!tpu.dma_semaphore, #tpu.memory_space<semaphore_mem>>) src(%dma_wait3A_206 : memref<640x32xf32, #tpu.memory_space<vmem>>) dst(%dma_wait3A_202 : memref<640x32xf32, #tpu.memory_space<hbm>>)
    %dma_wait3A_207 = arith.constant 2 : i32
    %dma_wait3A_208 = arith.constant 0 : i32
    %dma_wait3A_209 = arith.constant 0 : i32
    %dma_wait3A_210 = arith.constant 0 : i32
    %dma_wait3A_211 = tpu.memref_slice %arg6[%dma_wait3A_207, %dma_wait3A_209, %dma_wait3A_210] : memref<4x640x32xf32, #tpu.memory_space<vmem>> -> memref<1x640x32xf32, #tpu.memory_space<vmem>>
    %dma_wait3A_212 = tpu.memref_squeeze %dma_wait3A_211 : memref<1x640x32xf32, #tpu.memory_space<vmem>> -> memref<640x32xf32, #tpu.memory_space<vmem>>
    %dma_wait3A_213 = arith.constant 0 : i32
    %dma_wait3A_214 = arith.constant 0 : i32
    %dma_wait3A_215 = tpu.memref_slice %arg4[%add3A, %dma_wait3A_208, %dma_wait3A_213, %dma_wait3A_214] : memref<32x40x640x32xf32, #tpu.memory_space<hbm>> -> memref<1x1x640x32xf32, #tpu.memory_space<hbm>>
    %dma_wait3A_216 = tpu.memref_squeeze %dma_wait3A_215 : memref<1x1x640x32xf32, #tpu.memory_space<hbm>> -> memref<640x32xf32, #tpu.memory_space<hbm>>
    %dma_wait3A_217 = arith.constant 0 : i32
    %dma_wait3A_218 = arith.constant 0 : i32
    %dma_wait3A_219 = tpu.memref_slice %arg4[%add3A, %dma_wait3A_208, %dma_wait3A_217, %dma_wait3A_218] : memref<32x40x640x32xf32, #tpu.memory_space<hbm>> -> memref<1x1x640x32xf32, #tpu.memory_space<hbm>>
    %dma_wait3A_220 = tpu.memref_squeeze %dma_wait3A_219 : memref<1x1x640x32xf32, #tpu.memory_space<hbm>> -> memref<640x32xf32, #tpu.memory_space<hbm>>
    %dma_wait3A_221 = arith.constant 0 : i32
    %dma_wait3A_222 = arith.constant 0 : i32
    %dma_wait3A_223 = tpu.memref_slice %arg6[%dma_wait3A_207, %dma_wait3A_221, %dma_wait3A_222] : memref<4x640x32xf32, #tpu.memory_space<vmem>> -> memref<1x640x32xf32, #tpu.memory_space<vmem>>
    %dma_wait3A_224 = tpu.memref_squeeze %dma_wait3A_223 : memref<1x640x32xf32, #tpu.memory_space<vmem>> -> memref<640x32xf32, #tpu.memory_space<vmem>>
    tpu.wait_dma2 semaphore(%arg13 : memref<!tpu.dma_semaphore, #tpu.memory_space<semaphore_mem>>) src(%dma_wait3A_224 : memref<640x32xf32, #tpu.memory_space<vmem>>) dst(%dma_wait3A_220 : memref<640x32xf32, #tpu.memory_space<hbm>>)
    %dma_wait3A_225 = arith.constant 3 : i32
    %dma_wait3A_226 = arith.constant 0 : i32
    %dma_wait3A_227 = arith.constant 0 : i32
    %dma_wait3A_228 = arith.constant 0 : i32
    %dma_wait3A_229 = tpu.memref_slice %arg6[%dma_wait3A_225, %dma_wait3A_227, %dma_wait3A_228] : memref<4x640x32xf32, #tpu.memory_space<vmem>> -> memref<1x640x32xf32, #tpu.memory_space<vmem>>
    %dma_wait3A_230 = tpu.memref_squeeze %dma_wait3A_229 : memref<1x640x32xf32, #tpu.memory_space<vmem>> -> memref<640x32xf32, #tpu.memory_space<vmem>>
    %dma_wait3A_231 = arith.constant 0 : i32
    %dma_wait3A_232 = arith.constant 0 : i32
    %dma_wait3A_233 = tpu.memref_slice %arg4[%add3A, %dma_wait3A_226, %dma_wait3A_231, %dma_wait3A_232] : memref<32x40x640x32xf32, #tpu.memory_space<hbm>> -> memref<1x1x640x32xf32, #tpu.memory_space<hbm>>
    %dma_wait3A_234 = tpu.memref_squeeze %dma_wait3A_233 : memref<1x1x640x32xf32, #tpu.memory_space<hbm>> -> memref<640x32xf32, #tpu.memory_space<hbm>>
    %dma_wait3A_235 = arith.constant 0 : i32
    %dma_wait3A_236 = arith.constant 0 : i32
    %dma_wait3A_237 = tpu.memref_slice %arg4[%add3A, %dma_wait3A_226, %dma_wait3A_235, %dma_wait3A_236] : memref<32x40x640x32xf32, #tpu.memory_space<hbm>> -> memref<1x1x640x32xf32, #tpu.memory_space<hbm>>
    %dma_wait3A_238 = tpu.memref_squeeze %dma_wait3A_237 : memref<1x1x640x32xf32, #tpu.memory_space<hbm>> -> memref<640x32xf32, #tpu.memory_space<hbm>>
    %dma_wait3A_239 = arith.constant 0 : i32
    %dma_wait3A_240 = arith.constant 0 : i32
    %dma_wait3A_241 = tpu.memref_slice %arg6[%dma_wait3A_225, %dma_wait3A_239, %dma_wait3A_240] : memref<4x640x32xf32, #tpu.memory_space<vmem>> -> memref<1x640x32xf32, #tpu.memory_space<vmem>>
    %dma_wait3A_242 = tpu.memref_squeeze %dma_wait3A_241 : memref<1x640x32xf32, #tpu.memory_space<vmem>> -> memref<640x32xf32, #tpu.memory_space<vmem>>
    tpu.wait_dma2 semaphore(%arg14 : memref<!tpu.dma_semaphore, #tpu.memory_space<semaphore_mem>>) src(%dma_wait3A_242 : memref<640x32xf32, #tpu.memory_space<vmem>>) dst(%dma_wait3A_238 : memref<640x32xf32, #tpu.memory_space<hbm>>)
    return
  }
}

</mosaic_0001>

<sc_bundles>
// kernel: kernel.3.cloned.1.call-start
scs
__scs_entry_jumppad:
0x0: {  	(pc) =	sbr.rel $0x88, $3  }
0x1: {  	(tag) =	ssettag $0x0;
	lr =	simm.s32 $0x1  }
0x2: {  	[smem:$0x3F9F] =	sst lr;
	_ =	strace $0xD0000000  }
0x3: {  	_ = 	snop  }
0x4: {  	_ = 	snop  }
0x5: {  	_ = 	snop  }
0x6: {  	_ = 	snop  }
0x7: {  	_ = 	snop  }
__scs_overlays_trampoline_lowered:
0x8: {  	[smem:$0x3FAE] =	sst s0  }
0x9: {  	[smem:$0x3FAF] =	sst s1  }
0xa: {  	[smem:$0x3FB0] =	sst s2  }
0xb: {  	[smem:$0x3FB1] =	sst s3  }
0xc: {  	[smem:$0x3FB2] =	sst s4  }
0xd: {  	[smem:$0x3FB3] =	sst s5  }
0xe: {  	[smem:$0x3FB4] =	sst s6  }
0xf: {  	[smem:$0x3FB5] =	sst s7  }
0x10: {  	[smem:$0x3FB6] =	sst s8  }
0x11: {  	[smem:$0x3FB7] =	sst s9;
	s0 =	simm.s32 @!p0 $0x0  }
0x12: {  	s1 =	sld [smem:$0x3F9D];
	s0 =	simm.s32 @p0 $0x1  }
0x13: {  	[smem:$0x3FB8] =	sst s0;
	s0 =	simm.s32 @!p1 $0x0  }
0x14: {  	s2 =	sld [smem:$0x3F9C];
	s0 =	simm.s32 @p1 $0x1  }
0x15: {  	[smem:$0x3FB9] =	sst s0;
	s0 =	simm.s32 @!p2 $0x0  }
0x16: {  	s3 =	sld [smem:$0x3FDB];
	s0 =	simm.s32 @p2 $0x1  }
0x17: {  	s4 =	simm.s32 $0x1BF5;
	[smem:$0x3FBB] =	sst s0  }
0x18: {  	s0 =	sld [smem:$0x3F9E];
	_ =	swait.ge [sflag:s4], $0x0  }
0x19: {  	s7 =	sld [smem:$0x3F9F]  }
0x1a: {  	s8 =	sadd.s32 $0xFFFFE003, lr  }
0x1b: {  	s9 =	sadd.s32 $0xFFFFFEF7, lr;
	s5 =	simm.s32 $0xFFFFFFFF;
	p2 =	slt.u32 s8, $0xFFFFF086  }
0x1c: {  	p1 =	slt.u32 s9, $0xF7A;
	s5 =	simm.s32 @!p2 $0x0  }
0x1d: {  	s5 =	simm.s32 @p1 $0x1;
	p0 =	seq.s32 s7, s2  }
0x1e: {  	s7 =	smul.u32 @!p0 $0xF7A, s2;
	p2 =	seq.s32 @!p0 s5, $0x0  }
0x1f: {  	s9 =	smul.u32 $0xF7A, s1;
	s8 =	simm.s32 @!p0 $0x1BF5;
	p2 =	por !p2, p0  }
0x20: {  	[sflag:s8] =	ssyncset.s32 @!p0 $0xFFFFF086;
	s6 =	sadd.s32 @!p0 s3, s7;
	s7 =	simm.s32 @!p0 $0x108  }
0x21: {  	s3 =	sadd.s32 s3, s9;
	s6 =	sadd.s32 @!p0 $0x88, s6;
	s7 =	simm.s32 @p2 $0x1082  }
0x22: {  	[simem:s7], [sflag:s8] =	dma.local @!p0 [hbm:s6], $0xF7A  }
0x23: {  	s9 =	sor.u32 $0xD0000000, s2;
	s6 =	simm.s32 $0x108;
	_ =	swait.ge @!p0 [sflag:s8], $0x0  }
0x24: {  	s3 =	sadd.s32 $0x88, s3;
	s6 =	simm.s32 @!p1 $0x1082;
	[sflag:s4] =	ssyncset.s32 $0xFFFFF086  }
0x25: {  	[simem:s6], [sflag:s4] =	dma.local [hbm:s3], $0xF7A  }
0x26: {  	[smem:$0x3F9F] =	sst s1;
	(tag) =	ssettag s2;
	_ =	strace s9  }
0x27: {  	s1 =	sld [smem:$0x3FAF]  }
0x28: {  	s2 =	sld [smem:$0x3FB0]  }
0x29: {  	s4 =	sld [smem:$0x3FB2]  }
0x2a: {  	p0 =	seq.s32 s5, $0x0;
	s5 =	sld [smem:$0x3FB3]  }
0x2b: {  	s6 =	sld [smem:$0x3FB4]  }
0x2c: {  	s7 =	sld [smem:$0x3FB5]  }
0x2d: {  	s3 =	simm.s32 $0x108;
	s8 =	sld [smem:$0x3FB6]  }
0x2e: {  	s3 =	simm.s32 @!p0 $0x1082;
	s9 =	sld [smem:$0x3FB7]  }
0x2f: {  	lr =	sadd.s32 s0, s3;
	s0 =	sld [smem:$0x3FAE]  }
0x30: {  	s3 =	sld [smem:$0x3FB1]  }
0x31: {  	[smem:$0x3FBA] =	sst s10  }
0x32: {  	s10 =	sld [smem:$0x3FB8];
	_ =	sdelay $0x3  }
0x33: {  	p0 =	seq.s32 s10, $0x1;
	s10 =	sld [smem:$0x3FBA];
	_ =	sdelay $0x3  }
0x34: {  	[smem:$0x3FBA] =	sst s10  }
0x35: {  	s10 =	sld [smem:$0x3FB9];
	_ =	sdelay $0x3  }
0x36: {  	p1 =	seq.s32 s10, $0x1;
	s10 =	sld [smem:$0x3FBA];
	_ =	sdelay $0x3  }
0x37: {  	[smem:$0x3FBA] =	sst s10  }
0x38: {  	s10 =	sld [smem:$0x3FBB]  }
0x39: {  	_ = 	snop;
	(pc) =	sbr.ind lr, $3  }
0x3a: {  	_ = 	snop  }
0x3b: {  	_ = 	snop  }
0x3c: {  	p2 =	seq.s32 s10, $0x1;
	s10 =	sld [smem:$0x3FBA]  }
0x3d: {  	_ =	shalt  }
0x3e: {  	_ =	shalt  }
0x3f: {  	_ =	shalt  }
0x40: {  	_ =	shalt  }
0x41: {  	_ =	shalt  }
0x42: {  	_ =	shalt  }
0x43: {  	_ =	shalt  }
0x44: {  	_ =	shalt  }
0x45: {  	_ =	shalt  }
0x46: {  	_ =	shalt  }
0x47: {  	_ =	shalt  }
0x48: {  	_ =	shalt  }
0x49: {  	_ =	shalt  }
0x4a: {  	_ =	shalt  }
0x4b: {  	_ =	shalt  }
0x4c: {  	_ =	shalt  }
0x4d: {  	_ =	shalt  }
0x4e: {  	_ =	shalt  }
0x4f: {  	_ =	shalt  }
0x50: {  	_ =	shalt  }
0x51: {  	_ =	shalt  }
0x52: {  	_ =	shalt  }
0x53: {  	_ =	shalt  }
0x54: {  	_ =	shalt  }
0x55: {  	_ =	shalt  }
0x56: {  	_ =	shalt  }
0x57: {  	_ =	shalt  }
0x58: {  	_ =	shalt  }
0x59: {  	_ =	shalt  }
0x5a: {  	_ =	shalt  }
0x5b: {  	_ =	shalt  }
0x5c: {  	_ =	shalt  }
0x5d: {  	_ =	shalt  }
0x5e: {  	_ =	shalt  }
0x5f: {  	_ =	shalt  }
0x60: {  	_ =	shalt  }
0x61: {  	_ =	shalt  }
0x62: {  	_ =	shalt  }
0x63: {  	_ =	shalt  }
0x64: {  	_ =	shalt  }
0x65: {  	_ =	shalt  }
0x66: {  	_ =	shalt  }
0x67: {  	_ =	shalt  }
0x68: {  	_ =	shalt  }
0x69: {  	_ =	shalt  }
0x6a: {  	_ =	shalt  }
0x6b: {  	_ =	shalt  }
0x6c: {  	_ =	shalt  }
0x6d: {  	_ =	shalt  }
0x6e: {  	_ =	shalt  }
0x6f: {  	_ =	shalt  }
0x70: {  	_ =	shalt  }
0x71: {  	_ =	shalt  }
0x72: {  	_ =	shalt  }
0x73: {  	_ =	shalt  }
0x74: {  	_ =	shalt  }
0x75: {  	_ =	shalt  }
0x76: {  	_ =	shalt  }
0x77: {  	_ =	shalt  }
0x78: {  	_ =	shalt  }
0x79: {  	_ =	shalt  }
0x7a: {  	_ =	shalt  }
0x7b: {  	_ =	shalt  }
0x7c: {  	_ =	shalt  }
0x7d: {  	_ =	shalt  }
0x7e: {  	_ =	shalt  }
0x7f: {  	_ =	shalt  }
0x80: {  	_ =	shalt  }
0x81: {  	_ =	shalt  }
0x82: {  	_ =	shalt  }
0x83: {  	_ =	shalt  }
0x84: {  	_ =	shalt  }
0x85: {  	_ =	shalt  }
0x86: {  	_ =	shalt  }
0x87: {  	_ =	shalt  }
.Lfunc_end0:
.L_simem_size_0:
called_computation.1_lowered:
.L_overlay_start_0:
0x88: {  	s2 =	sld [smem:$0x3FD9]  }
0x89: {  	s3 =	sld [smem:$0x3FFE];
	_ =	sdelay $0x1  }
0x8a: {  	s1 =	srdreg.scid  }
0x8b: {  	s0 =	sand.u32 $0x1, s1  }
0x8c: {  	s17 =	sshll.u32 s0, $0xA;
	s2 =	sadd.s32 s3, s2  }
0x8d: {  	s2 =	sadd.s32 s2, s17  }
0x8e: {  	[smem:$0x3FC6] =	sst s2  }
0x8f: {  	_ = 	snop  }
0x90: {  	s2 =	sld [smem:$0x3FD0];
	(tm) =	ssettm $0x1  }
0x91: {  	s18 =	sld [smem:$0x3FFB];
	_ =	sdelay $0x3  }
0x92: {  	_ =	strace s18  }
0x93: {  	s3 =	sld [smem:$0x3FFC];
	_ =	sdelay $0x3  }
0x94: {  	_ =	strace s3  }
0x95: {  	s3 =	sld [smem:$0x3FFD];
	_ =	sdelay $0x3  }
0x96: {  	_ =	strace s3  }
0x97: {  	_ =	strace $0x8FFFFFFF  }
0x98: {  	s19 =	sld [smem:$0x3FDB];
	_ =	sdelay $0x1  }
0x99: {  	s4 =	simm.s32 $_scs_section_size  }
0x9a: {  	s5 =	simm.s32 $_size__tile_overlayer_lowered;
	s6 =	simm.s32 $_tile_overlayer_lowered  }
0x9b: {  	s22 =	simm.s32 $0x1BFF;
	s21 =	sshll.u32 s6, $0x1;
	s3 =	sadd.s32 s4, s19  }
0x9c: {  	s7 =	simm.s32 $0x0;
	s20 =	sshll.u32 s5, $0x1;
	s5 =	sadd.s32 s21, s3  }
0x9d: {  	[timem:s7], [sflag:s22] =	dma.local [hbm:s5], s20  }
0x9e: {  	_ =	swait.ge [sflag:s22], s20  }
0x9f: {  	s4 =	ssub.s32 $0x0, s20;
	[sflag:s22] =	ssyncset.done $0x0  }
0xa0: {  	[sflag:s22] =	ssyncadd.s32 s4;
	_ =	sdelay $0x1  }
0xa1: {  	s23 =	simm.s32 $0x1B8B  }
0xa2: {  	_ =	swait.ge [sflag:s23], $0x1  }
0xa3: {  	[sflag:s23] =	ssyncset.done $0x0  }
0xa4: {  	s25 =	simm.s32 $0x1B8E;
	s24 =	sld [smem:$0x3FFE];
	[sflag:s23] =	ssyncadd.s32 $0xFFFFFFFF  }
0xa5: {  	s26 =	simm.s32 $execute0_lowered;
	[smem:$0x3FD2] =	sst s25  }
0xa6: {  	s5 =	sshll.u32 s26, $0x1;
	_ =	strace $0x80000046;
	[dreg:$0x1] =	wrdreg $0xFFFFFFFF  }
0xa7: {  	s28 =	simm.s32 $_size_execute0_lowered;
	s3 =	sadd.s32 s3, s5;
	[dreg:$0x0] =	wrdreg $0x0  }
0xa8: {  	s5 =	sshll.u32 s28, $0x1;
	[dreg:$0x2] =	wrdreg s3  }
0xa9: {  	[dreg:$0x3] =	wrdreg s5  }
0xaa: {  	[dreg:$0x4] =	wrdreg $0xC0  }
0xab: {  	_ =	task [dreg:s7], $0x5FFFF  }
0xac: {  	[dreg:$0x1] =	wrdreg $0xFFFFFFFF  }
0xad: {  	[dreg:$0x0] =	wrdreg $0x60  }
0xae: {  	[dreg:$0x2] =	wrdreg s24  }
0xaf: {  	[dreg:$0x3] =	wrdreg s2  }
0xb0: {  	[dreg:$0x4] =	wrdreg $0x9  }
0xb1: {  	_ =	task.clear_ibuf [dreg:s7], $0x5FFFF;
	_ =	strace $0x90000046  }
0xb2: {  	s29 =	simm.s32 $0x9;
	_ =	strace $0x80000048  }
0xb3: {  	_ =	swait.ge [sflag:s29], $0x1  }
0xb4: {  	[sflag:s29] =	ssyncadd.s32 $0xFFFFFFFF  }
0xb5: {  	_ =	strace $0x90000048  }
0xb6: {  	_ =	sfence  }
0xb7: {  	s30 =	sld [smem:$0x0];
	_ =	sdelay $0x2  }
0xb8: {  	s31 =	sshll.u32 s1, $0xD;
	s1 =	sshrl.u32 s1, $0x2  }
0xb9: {  	s3 =	sand.u32 $0x4000, s31;
	s1 =	sadd.s32 s1, s30  }
0xba: {  	s0 =	sor.u32 s3, s0;
	s1 =	sshll.u32 s1, $0x11  }
0xbb: {  	s0 =	sor.u32 s1, s0  }
0xbc: {  	s0 =	sadd.s32 $0x8F2B, s0  }
0xbd: {  	[sflag:s0] =	ssyncadd.remote.s32 $0x1  }
0xbe: {  	_ =	sfence.sel $0xFFFF  }
0xbf: {  	[dreg:$0x0] =	wrdreg $0xFFFFFFFF;
	(pc) =	sbr.abs _section_cstart, $3  }
0xc0: {  	[dreg:$0x1] =	wrdreg $0xFFFFFFFF  }
0xc1: {  	_ =	task.clear_ibuf [dreg:s7], $0x2FFFF;
	_ =	strace $0x9FFFFFFF  }
0xc2: {  	(tm) =	ssettm $0x7FFFFFFF  }
0xc3: {  	_ =	shalt  }
tec
execute0_lowered:
.L_overlay_start_1:
0x0: {  	(tag) =	ssettag $0x1  }
0x1: {  	s0 =	srdreg.scid  }
0x2: {  	s7 =	stileid.u32;
	s1 =	rddreg [dreg:$0x0]  }
0x3: {  	s2 =	rddreg [dreg:$0x1];
	s14 =	simm.s32 $0x9;
	s15 =	simm.s32 $0x280  }
0x4: {  	s16 =	simm.s32 $0x6400;
	s17 =	simm.s32 $0xB400;
	s19 =	simm.s32 $0x10400  }
0x5: {  	s21 =	simm.s32 $0x15400;
	s22 =	simm.s32 $0x1;
	s23 =	simm.s32 $0x5  }
0x6: {  	s28 =	simm.s32 $0x7;
	s29 =	simm.s32 $0x4;
	s30 =	simm.s32 $0x8  }
0x7: {  	s0 =	sand.u32 $0x1, s0;
	s3 =	sshll.u32 s7, $0x1;
	s9 =	smul.u32 $0x190000, s7  }
0x8: {  	s4 =	sor.u32 s0, s3;
	s24 =	ssub.s32 $0x2, s0;
	s0 =	smul.u32 $0xC8000, s0  }
0x9: {  	s31 =	simm.s32 $0x0;
	s3 =	simm.s32 $0x0;
	s5 =	smul.u32 $0xC80, s4  }
0xa: {  	[smem:$0x7FF] =	sst s3;
	s6 =	smul.u32 $0xC8000, s4;
	s4 =	sadd.s32 $0xF42E00, s1  }
0xb: {  	s25 =	sshrl.u32 s24, $0x1;
	_ =	strace $0x80000047;
	s0 =	sadd.s32 s0, s9  }
0xc: {  	s5 =	sadd.s32 s5, s1;
	s6 =	sshrl.u32 s6, $0x3;
	s1 =	ssub.s32 s24, s25  }
0xd: {  	s26 =	sadd.s32 $0xF000, s0;
	s11 =	sadd.s32 $0xA000, s0;
	s12 =	sor.u32 $0x5000, s0  }
0xe: {  	s13 =	sadd.s32 $0x14000, s0;
	s24 =	simm.s32 $0x2;
	s25 =	simm.s32 $0x6  }
0xf: {  	s5 =	sadd.s32 $0xA00, s5;
	s6 =	sadd.s32 s2, s6;
	s10 =	smax.u32 s1, $0x1  }
0x10: {  	s1 =	sshrl.u32 s26, $0x3;
	s11 =	sshrl.u32 s11, $0x3;
	s12 =	sshrl.u32 s12, $0x3  }
0x11: {  	s26 =	simm.s32 $0x3;
	[dreg:$0x4] =	wrdreg s5;
	s7 =	sadd.s32 $0x17200, s6  }
0x12: {  	s8 =	sadd.s32 $0x17C00, s6;
	s9 =	sadd.s32 $0x18600, s6;
	s1 =	sadd.s32 s1, s2  }
0x13: {  	s11 =	sadd.s32 s11, s2;
	s12 =	sadd.s32 s12, s2;
	[dreg:$0x3] =	wrdreg s1  }
.LBB2_1:
0x14: {  	s0 =	rddreg [dreg:$0x4]  }
0x15: {  	[tilespmem:s3], [sflag:$0x9] =	stream.linear.gather [hbm4b:s0+s3], $0x6400, $0x38;
	[tilespmem:$0x1A400] =	vst v63  }
0x16: {  	_ =	swait.ge [sflag:s14], $0x6400  }
0x17: {  	[sflag:s14] =	ssyncset.done $0x0  }
0x18: {  	[sflag:s14] =	ssyncadd.s32 $0xFFFF9C00  }
0x19: {  	[tilespmem:s16], [sflag:$0x1] =	stream.indirect.gather [hbm4b:s4+s15], $0x20, s3, s15, $0xb8;
	[tilespmem:$0x1A400] =	vst v63  }
0x1a: {  	_ = 	snop  }
0x1b: {  	[tilespmem:s17], [sflag:$0x2] =	stream.indirect.gather [hbm4b:s4+s15], $0x20, s15, s15, $0xb8;
	[tilespmem:$0x1A400] =	vst v63  }
0x1c: {  	s18 =	simm.s32 $0x500  }
0x1d: {  	[tilespmem:s19], [sflag:$0x3] =	stream.indirect.gather [hbm4b:s4+s15], $0x20, s18, s15, $0xb8;
	[tilespmem:$0x1A400] =	vst v63  }
0x1e: {  	s20 =	simm.s32 $0x780  }
0x1f: {  	[tilespmem:s21], [sflag:$0x4] =	stream.indirect.gather [hbm4b:s4+s15], $0x20, s20, s15, $0xb8;
	[tilespmem:$0x1A400] =	vst v63  }
0x20: {  	_ =	swait.ge [sflag:s22], $0x5000  }
0x21: {  	[sflag:s22] =	ssyncset.done $0x0  }
0x22: {  	[sflag:s22] =	ssyncadd.s32 $0xFFFFB000  }
0x23: {  	[hbm4b:s6+s3] =	stream.linear.scatter [tilespmem:s16], [sflag:$0x5], $0x5000, $0x38;
	[tilespmem:$0x1A400] =	vst v63  }
0x24: {  	_ =	swait.ge [sflag:s23], $0x5000  }
0x25: {  	[sflag:s23] =	ssyncset.done $0x0  }
0x26: {  	s1 =	simm.s32 $0xA00;
	[sflag:s23] =	ssyncadd.s32 $0xFFFFB000  }
0x27: {  	[tilespmem:s16], [sflag:$0x1] =	stream.indirect.gather [hbm4b:s4+s15], $0x20, s1, s15, $0xb8;
	[tilespmem:$0x1A400] =	vst v63  }
0x28: {  	_ =	swait.ge [sflag:s24], $0x5000  }
0x29: {  	[sflag:s24] =	ssyncset.done $0x0  }
0x2a: {  	s5 =	sadd.s32 $0x0, s12;
	[sflag:s24] =	ssyncadd.s32 $0xFFFFB000  }
0x2b: {  	[hbm4b:s5+s3] =	stream.linear.scatter [tilespmem:s17], [sflag:$0x6], $0x5000, $0x38;
	[tilespmem:$0x1A400] =	vst v63  }
0x2c: {  	_ =	swait.ge [sflag:s25], $0x5000  }
0x2d: {  	[sflag:s25] =	ssyncset.done $0x0  }
0x2e: {  	s18 =	simm.s32 $0xC80;
	[sflag:s25] =	ssyncadd.s32 $0xFFFFB000  }
0x2f: {  	[tilespmem:s17], [sflag:$0x2] =	stream.indirect.gather [hbm4b:s4+s15], $0x20, s18, s15, $0xb8;
	[tilespmem:$0x1A400] =	vst v63  }
0x30: {  	_ =	swait.ge [sflag:s26], $0x5000  }
0x31: {  	[sflag:s26] =	ssyncset.done $0x0  }
0x32: {  	s20 =	sadd.s32 $0x0, s11;
	[sflag:s26] =	ssyncadd.s32 $0xFFFFB000  }
0x33: {  	[hbm4b:s20+s3] =	stream.linear.scatter [tilespmem:s19], [sflag:$0x7], $0x5000, $0x38;
	[tilespmem:$0x1A400] =	vst v63  }
0x34: {  	_ =	swait.ge [sflag:s28], $0x5000  }
0x35: {  	[sflag:s28] =	ssyncset.done $0x0  }
0x36: {  	s1 =	simm.s32 $0xF00;
	[sflag:s28] =	ssyncadd.s32 $0xFFFFB000  }
0x37: {  	[tilespmem:s19], [sflag:$0x3] =	stream.indirect.gather [hbm4b:s4+s15], $0x20, s1, s15, $0xb8;
	[tilespmem:$0x1A400] =	vst v63  }
0x38: {  	_ =	swait.ge [sflag:s29], $0x5000  }
0x39: {  	s5 =	rddreg [dreg:$0x3];
	[sflag:s29] =	ssyncset.done $0x0  }
0x3a: {  	[sflag:s29] =	ssyncadd.s32 $0xFFFFB000;
	s0 =	sadd.s32 $0x0, s5  }
0x3b: {  	[hbm4b:s0+s3] =	stream.linear.scatter [tilespmem:s21], [sflag:$0x8], $0x5000, $0x38;
	[tilespmem:$0x1A400] =	vst v63  }
0x3c: {  	_ =	swait.ge [sflag:s30], $0x5000  }
0x3d: {  	[sflag:s30] =	ssyncset.done $0x0  }
0x3e: {  	s18 =	simm.s32 $0x1180;
	[sflag:s30] =	ssyncadd.s32 $0xFFFFB000  }
0x3f: {  	[tilespmem:s21], [sflag:$0x4] =	stream.indirect.gather [hbm4b:s4+s15], $0x20, s18, s15, $0xb8;
	[tilespmem:$0x1A400] =	vst v63  }
0x40: {  	_ =	swait.ge [sflag:s22], $0x5000  }
0x41: {  	s20 =	sshrl.u32 s13, $0x3;
	s1 =	simm.s32 $0x2800;
	[sflag:s22] =	ssyncset.done $0x0  }
0x42: {  	s0 =	sadd.s32 $0x14000, s13;
	s18 =	sadd.s32 s2, s20;
	[sflag:s22] =	ssyncadd.s32 $0xFFFFB000  }
.LBB2_2:
0x43: {  	[hbm4b:s18+s3] =	stream.linear.scatter [tilespmem:s16], [sflag:$0x5], $0x5000, $0x38;
	[tilespmem:$0x1A400] =	vst v63  }
0x44: {  	s18 =	smov.u32 s1;
	_ =	swait.ge [sflag:s23], $0x5000  }
0x45: {  	s20 =	sshra.s32 s18, $0x2;
	[sflag:s23] =	ssyncset.done $0x0  }
0x46: {  	s5 =	sadd.s32 $0xA00, s20;
	[sflag:s23] =	ssyncadd.s32 $0xFFFFB000  }
0x47: {  	[tilespmem:s16], [sflag:$0x1] =	stream.indirect.gather [hbm4b:s4+s15], $0x20, s5, s15, $0xb8;
	[tilespmem:$0x1A400] =	vst v63  }
0x48: {  	_ =	swait.ge [sflag:s24], $0x5000  }
0x49: {  	[sflag:s24] =	ssyncset.done $0x0  }
0x4a: {  	s5 =	sadd.s32 s18, s12;
	[sflag:s24] =	ssyncadd.s32 $0xFFFFB000  }
0x4b: {  	[hbm4b:s5+s3] =	stream.linear.scatter [tilespmem:s17], [sflag:$0x6], $0x5000, $0x38;
	[tilespmem:$0x1A400] =	vst v63  }
0x4c: {  	_ =	swait.ge [sflag:s25], $0x5000  }
0x4d: {  	[sflag:s25] =	ssyncset.done $0x0  }
0x4e: {  	s5 =	sadd.s32 $0xC80, s20;
	[sflag:s25] =	ssyncadd.s32 $0xFFFFB000  }
0x4f: {  	[tilespmem:s17], [sflag:$0x2] =	stream.indirect.gather [hbm4b:s4+s15], $0x20, s5, s15, $0xb8;
	[tilespmem:$0x1A400] =	vst v63  }
0x50: {  	_ =	swait.ge [sflag:s26], $0x5000  }
0x51: {  	[sflag:s26] =	ssyncset.done $0x0  }
0x52: {  	s5 =	sadd.s32 s18, s11;
	[sflag:s26] =	ssyncadd.s32 $0xFFFFB000  }
0x53: {  	[hbm4b:s5+s3] =	stream.linear.scatter [tilespmem:s19], [sflag:$0x7], $0x5000, $0x38;
	[tilespmem:$0x1A400] =	vst v63  }
0x54: {  	_ =	swait.ge [sflag:s28], $0x5000  }
0x55: {  	[sflag:s28] =	ssyncset.done $0x0  }
0x56: {  	s5 =	sadd.s32 $0xF00, s20;
	[sflag:s28] =	ssyncadd.s32 $0xFFFFB000  }
0x57: {  	[tilespmem:s19], [sflag:$0x3] =	stream.indirect.gather [hbm4b:s4+s15], $0x20, s5, s15, $0xb8;
	[tilespmem:$0x1A400] =	vst v63  }
0x58: {  	_ =	swait.ge [sflag:s29], $0x5000  }
0x59: {  	s5 =	rddreg [dreg:$0x3];
	[sflag:s29] =	ssyncset.done $0x0  }
0x5a: {  	[sflag:s29] =	ssyncadd.s32 $0xFFFFB000;
	s5 =	sadd.s32 s18, s5  }
0x5b: {  	[hbm4b:s5+s3] =	stream.linear.scatter [tilespmem:s21], [sflag:$0x8], $0x5000, $0x38;
	[tilespmem:$0x1A400] =	vst v63  }
0x5c: {  	_ =	swait.ge [sflag:s30], $0x5000  }
0x5d: {  	p0 =	sne.s32 s1, $0x14000;
	[sflag:s30] =	ssyncset.done $0x0  }
.Ltmp0:
0x5e: {  	s18 =	sadd.s32 $0x1180, s20;
	[sflag:s30] =	ssyncadd.s32 $0xFFFFB000;
	(pc) =	sbr.rel @p0 .LBB2_2-.Ltmp0, $4  }
0x5f: {  	[tilespmem:s21], [sflag:$0x4] =	stream.indirect.gather [hbm4b:s4+s15], $0x20, s18, s15, $0xb8;
	[tilespmem:$0x1A400] =	vst v63  }
0x60: {  	_ =	swait.ge [sflag:s22], $0x5000  }
0x61: {  	s1 =	sadd.s32 $0x2800, s1;
	s20 =	sshrl.u32 s0, $0x3;
	[sflag:s22] =	ssyncset.done $0x0  }
0x62: {  	s0 =	sadd.s32 $0x14000, s0;
	s18 =	sadd.s32 s2, s20;
	[sflag:s22] =	ssyncadd.s32 $0xFFFFB000  }
0x63: {  	[hbm4b:s18+s3] =	stream.linear.scatter [tilespmem:s16], [sflag:$0x5], $0x5000, $0x38;
	[tilespmem:$0x1A400] =	vst v63  }
0x64: {  	_ =	swait.ge [sflag:s24], $0x5000  }
0x65: {  	[sflag:s24] =	ssyncset.done $0x0  }
0x66: {  	[sflag:s24] =	ssyncadd.s32 $0xFFFFB000  }
0x67: {  	[hbm4b:s7+s3] =	stream.linear.scatter [tilespmem:s17], [sflag:$0x6], $0x5000, $0x38;
	[tilespmem:$0x1A400] =	vst v63  }
0x68: {  	_ =	swait.ge [sflag:s26], $0x5000  }
0x69: {  	[sflag:s26] =	ssyncset.done $0x0  }
0x6a: {  	[sflag:s26] =	ssyncadd.s32 $0xFFFFB000  }
0x6b: {  	[hbm4b:s8+s3] =	stream.linear.scatter [tilespmem:s19], [sflag:$0x7], $0x5000, $0x38;
	[tilespmem:$0x1A400] =	vst v63  }
0x6c: {  	_ =	swait.ge [sflag:s29], $0x5000  }
0x6d: {  	[sflag:s29] =	ssyncset.done $0x0  }
0x6e: {  	[sflag:s29] =	ssyncadd.s32 $0xFFFFB000  }
0x6f: {  	[hbm4b:s9+s3] =	stream.linear.scatter [tilespmem:s21], [sflag:$0x8], $0x5000, $0x38;
	[tilespmem:$0x1A400] =	vst v63  }
0x70: {  	_ =	swait.ge [sflag:s23], $0x5000  }
0x71: {  	[sflag:s23] =	ssyncset.done $0x0  }
0x72: {  	[sflag:s23] =	ssyncadd.s32 $0xFFFFB000  }
0x73: {  	_ =	swait.ge [sflag:s25], $0x5000  }
0x74: {  	[sflag:s25] =	ssyncset.done $0x0  }
0x75: {  	s31 =	sadd.s32 $0x1, s31;
	[sflag:s25] =	ssyncadd.s32 $0xFFFFB000  }
0x76: {  	p0 =	sne.s32 s31, s10;
	_ =	swait.ge [sflag:s28], $0x5000  }
.Ltmp1:
0x77: {  	[sflag:s28] =	ssyncset.done $0x0;
	(pc) =	sbr.rel @p0 .LBB2_1-.Ltmp1, $4  }
0x78: {  	[sflag:s28] =	ssyncadd.s32 $0xFFFFB000  }
0x79: {  	_ =	swait.ge [sflag:s30], $0x5000  }
0x7a: {  	[sflag:s30] =	ssyncset.done $0x0  }
0x7b: {  	[sflag:s30] =	ssyncadd.s32 $0xFFFFB000  }
0x7c: {  	_ =	sfence.sel $0x180000  }
0x7d: {  	[bflag:$0x0] =	sbarrier.arrive $0xFFFF  }
0x7e: {  	_ =	strace $0x90000047  }
0x7f: {  	s0 =	stileid.u32;
	[bflag:$0x2] =	sbarrier.arrive $0xFFFF  }
0x80: {  	p0 =	sne.s32 s0, $0x0;
	s0 =	rddreg [dreg:$0x2]  }
0x81: {  	s0 =	sadd.s32 @!p0 $0x100000, s0  }
0x82: {  	[sflag:s0] =	ssyncadd.tile.s32 @!p0 $0x1;
	_ =	shalt  }
.Lfunc_end2:
_tile_overlayer_lowered:
.L_overlay_start_2:
0x83: {  	(tag) =	ssettag $0x2  }
0x84: {  	s0 =	rddreg [dreg:$0x0];
	s2 =	stileid.u32  }
0x85: {  	s1 =	rddreg [dreg:$0x1];
	p0 =	sne.s32 s2, $0x0  }
0x86: {  	s3 =	rddreg [dreg:$0x2];
	[bflag:$0x3] =	sbarrier.arrive $0xFFFF;
	s2 =	simm.s32 @!p0 $0x1C09  }
0x87: {  	[timem:s3], [sflag:s2] =	dma.local @!p0 [hbm:s0], s1  }
0x88: {  	s0 =	simm.s32 @!p0 $0x9  }
0x89: {  	_ =	swait.ge @!p0 [sflag:s0], s1  }
0x8a: {  	s1 =	ssub.s32 @!p0 $0x0, s1;
	[sflag:s0] =	ssyncset.done @!p0 $0x0  }
0x8b: {  	[sflag:s0] =	ssyncadd.s32 @!p0 s1  }
0x8c: {  	[bflag:$0x3] =	sbarrier.arrive $0xFFFF  }
0x8d: {  	_ =	shalt  }

// kernel: sparse-core-data-format-call.cloned.1.call-start
scs
called_computation_lowered:
.L_overlay_start_0:
0x0: {  	s2 =	sld [smem:$0x3FD9]  }
0x1: {  	s3 =	sld [smem:$0x3FFE];
	_ =	sdelay $0x1  }
0x2: {  	s1 =	srdreg.scid  }
0x3: {  	s0 =	sand.u32 $0x1, s1  }
0x4: {  	s18 =	sshll.u32 s0, $0xA;
	s2 =	sadd.s32 s3, s2  }
0x5: {  	s2 =	sadd.s32 s2, s18  }
0x6: {  	[smem:$0x3FC6] =	sst s2  }
0x7: {  	_ = 	snop  }
0x8: {  	s2 =	sld [smem:$0x3FD0];
	(tm) =	ssettm $0x1  }
0x9: {  	s19 =	sld [smem:$0x3FFB];
	_ =	sdelay $0x3  }
0xa: {  	_ =	strace s19  }
0xb: {  	s3 =	sld [smem:$0x3FFC];
	_ =	sdelay $0x3  }
0xc: {  	_ =	strace s3  }
0xd: {  	s3 =	sld [smem:$0x3FFD];
	_ =	sdelay $0x3  }
0xe: {  	_ =	strace s3  }
0xf: {  	_ =	strace $0x8FFFFFFF  }
0x10: {  	s20 =	sld [smem:$0x3FDB];
	_ =	sdelay $0x1  }
0x11: {  	s4 =	simm.s32 $_scs_section_size  }
0x12: {  	s5 =	simm.s32 $_size__tile_overlayer_lowered;
	s6 =	simm.s32 $_tile_overlayer_lowered  }
0x13: {  	s23 =	simm.s32 $0x1BFF;
	s22 =	sshll.u32 s6, $0x1;
	s3 =	sadd.s32 s4, s20  }
0x14: {  	s7 =	simm.s32 $0x0;
	s21 =	sshll.u32 s5, $0x1;
	s5 =	sadd.s32 s22, s3  }
0x15: {  	[timem:s7], [sflag:s23] =	dma.local [hbm:s5], s21  }
0x16: {  	_ =	swait.ge [sflag:s23], s21  }
0x17: {  	s4 =	ssub.s32 $0x0, s21;
	[sflag:s23] =	ssyncset.done $0x0  }
0x18: {  	[sflag:s23] =	ssyncadd.s32 s4;
	_ =	sdelay $0x1  }
0x19: {  	s24 =	simm.s32 $0x1B8B  }
0x1a: {  	_ =	swait.ge [sflag:s24], $0x1  }
0x1b: {  	[sflag:s24] =	ssyncset.done $0x0  }
0x1c: {  	s26 =	simm.s32 $0x1B8E;
	s25 =	sld [smem:$0x3FFE];
	[sflag:s24] =	ssyncadd.s32 $0xFFFFFFFF  }
0x1d: {  	s27 =	simm.s32 $execute0_lowered;
	[smem:$0x3FD2] =	sst s26  }
0x1e: {  	s5 =	sshll.u32 s27, $0x1;
	_ =	strace $0x80000049;
	[dreg:$0x1] =	wrdreg $0xFFFFFFFF  }
0x1f: {  	s28 =	simm.s32 $_size_execute0_lowered;
	s3 =	sadd.s32 s3, s5;
	[dreg:$0x0] =	wrdreg $0x0  }
0x20: {  	s5 =	sshll.u32 s28, $0x1;
	[dreg:$0x2] =	wrdreg s3  }
0x21: {  	[dreg:$0x3] =	wrdreg s5  }
0x22: {  	[dreg:$0x4] =	wrdreg $0xC0  }
0x23: {  	_ =	task [dreg:s7], $0x5FFFF  }
0x24: {  	[dreg:$0x1] =	wrdreg $0xFFFFFFFF  }
0x25: {  	[dreg:$0x0] =	wrdreg $0x60  }
0x26: {  	[dreg:$0x2] =	wrdreg s25  }
0x27: {  	[dreg:$0x3] =	wrdreg s2  }
0x28: {  	[dreg:$0x4] =	wrdreg $0x9  }
0x29: {  	_ =	task.clear_ibuf [dreg:s7], $0x5FFFF;
	_ =	strace $0x90000049  }
0x2a: {  	s29 =	simm.s32 $0x9;
	_ =	strace $0x8000004B  }
0x2b: {  	_ =	swait.ge [sflag:s29], $0x1  }
0x2c: {  	[sflag:s29] =	ssyncadd.s32 $0xFFFFFFFF  }
0x2d: {  	_ =	strace $0x9000004B  }
0x2e: {  	_ =	sfence  }
0x2f: {  	s30 =	sld [smem:$0x0];
	_ =	sdelay $0x2  }
0x30: {  	s31 =	sshll.u32 s1, $0xD;
	s1 =	sshrl.u32 s1, $0x2  }
0x31: {  	s3 =	sand.u32 $0x4000, s31;
	s1 =	sadd.s32 s1, s30  }
0x32: {  	s0 =	sor.u32 s3, s0;
	s1 =	sshll.u32 s1, $0x11  }
0x33: {  	s0 =	sor.u32 s1, s0  }
0x34: {  	s0 =	sadd.s32 $0x8F2B, s0  }
0x35: {  	[sflag:s0] =	ssyncadd.remote.s32 $0x1  }
0x36: {  	_ =	sfence.sel $0xFFFF  }
0x37: {  	[dreg:$0x0] =	wrdreg $0xFFFFFFFF;
	(pc) =	sbr.abs _section_cstart, $3  }
0x38: {  	[dreg:$0x1] =	wrdreg $0xFFFFFFFF  }
0x39: {  	_ =	task.clear_ibuf [dreg:s7], $0x2FFFF;
	_ =	strace $0x9FFFFFFF  }
0x3a: {  	(tm) =	ssettm $0x7FFFFFFF  }
0x3b: {  	_ =	shalt  }
tec
execute0_lowered:
.L_overlay_start_1:
0x0: {  	(tag) =	ssettag $0x1  }
0x1: {  	s0 =	srdreg.scid  }
0x2: {  	s1 =	sshll.u32 s0, $0x4  }
0x3: {  	s0 =	stileid.u32;
	s1 =	sand.u32 $0x10, s1  }
0x4: {  	s1 =	sor.u32 s0, s1  }
0x5: {  	s6 =	rddreg [dreg:$0x0];
	s4 =	simm.s32 $0x1;
	s2 =	sshll.u32 s1, $0x7  }
0x6: {  	s7 =	simm.s32 $0x2;
	s12 =	simm.s32 $0x0;
	s1 =	ssub.s32 $0x1000, s2  }
0x7: {  	s8 =	simm.s32 $0x8000;
	s13 =	simm.s32 $0x0;
	s3 =	sand.u32 $0xF80, s1  }
0x8: {  	s9 =	simm.s32 $0x0;
	s5 =	sshrl.u32 s1, $0xC;
	p0 =	sne.s32 s3, $0x0  }
.Ltmp0:
0x9: {  	s1 =	rddreg [dreg:$0x2];
	s4 =	simm.s32 @!p0 $0x0;
	(pc) =	sbr.rel .LBB1_1-.Ltmp0, $4  }
0xa: {  	s11 =	simm.s32 $0x0;
	s3 =	rddreg [dreg:$0x1];
	s5 =	sadd.s32 s4, s5  }
0xb: {  	_ =	strace $0x8000004A;
	s4 =	simm.s32 $0x1;
	s5 =	smul.u32 $0xC8, s5  }
0xc: {  	s6 =	sadd.s32 $0xA00, s6;
	s10 =	smov.u32 s2;
	[sflag:s4] =	ssyncpa.u1 $0x0  }
0xd: {  	p0 =	por $0x0, $0x0;
	[sflag:s7] =	ssyncpa.u1 $0x0;
	s7 =	sor.u32 $0x1, s5  }
.LBB1_4:
0xe: {  	s16 =	sshll.u32 s13, $0x3;
	s17 =	sand.u32 $0x78, s13  }
0xf: {  	s30 =	sand.u32 $0x3E00, s13;
	s12 =	sshll.u32 s12, $0xE;
	s16 =	sand.u32 $0xC00, s16  }
0x10: {  	s31 =	sand.u32 $0x7, s13;
	s16 =	sor.u32 s17, s16;
	s17 =	sadd.s32 s3, s30  }
0x11: {  	s13 =	sshll.u32 s31, $0x12;
	s16 =	sshrl.u32 s16, $0x3;
	s12 =	sadd.s32 s12, s17  }
0x12: {  	[tilespmem:s15+$0x0 ss:$0x81] =	vst.msk $0xffff, v0;
	s13 =	sor.u32 $0x400, s13;
	s12 =	sadd.s32 s16, s12  }
0x13: {  	[hbm4b:s12+s13] =	stream.strided.scatter [tilespmem:s14], [sflag:$0x2], $0x1000, s8, s13, $0x20;
	[tilespmem:$0x4040] =	vst v63  }
.LBB1_5:
0x14: {  	s14 =	sadd.s32 $0x1, s9  }
0x15: {  	s12 =	sadd.s32 $0x1000, s10;
	s16 =	smov.u32 s10;
	p2 =	sgt.s32 s14, $0xC7  }
0x16: {  	s16 =	smov.u32 @p2 s12  }
0x17: {  	s14 =	simm.s32 @p2 $0x0;
	p2 =	sgt.s32 s16, $0xFFF  }
0x18: {  	s16 =	smov.u32 @p2 s2;
	p2 =	sne.s32 s11, s7  }
.Ltmp1:
0x19: {  	p1 =	slt.u32 s11, $0x2;
	(pc) =	sbr.rel @!p2 .LBB1_6-.Ltmp1, $4  }
0x1a: {  	s15 =	simm.s32 @!p1 $0x2  }
0x1b: {  	s13 =	smov.u32 s10;
	p0 =	por !p0, !p0;
	_ =	swait.ge @!p1 [sflag:s15], $0x1000  }
0x1c: {  	s12 =	smov.u32 s9;
	[sflag:s15] =	ssyncset.done @!p1 $0x0;
	s9 =	smov.u32 s14  }
0x1d: {  	s11 =	sadd.s32 $0x1, s11;
	[sflag:s15] =	ssyncadd.s32 @!p1 $0xFFFFF000;
	s10 =	smov.u32 s16  }
.LBB1_1:
0x1e: {  	p1 =	sge.u32 s11, s5  }
0x1f: {  	s14 =	sand.u32 @!p1 $0x1FFFFFF, s9  }
0x20: {  	s15 =	smulhi.u32 @!p1 $0x147AE15, s14;
	_ =	sdelay $0x1  }
0x21: {  	s15 =	smul.u32 @!p1 $0xC8, s15  }
0x22: {  	s16 =	sxor.u32 @!p1 $0xFFFFFFFF, s11;
	s17 =	smul.u32 @!p1 $0xC80, s10  }
0x23: {  	s31 =	sadd.s32 $0xFFFFFFFF, s11;
	s16 =	sshll.u32 @!p1 s16, $0xC;
	s14 =	ssub.s32 @!p1 s14, s15  }
0x24: {  	s15 =	sand.u32 @!p1 $0x1000, s16;
	s16 =	sadd.s32 @!p1 s6, s17;
	s14 =	sshll.u32 @!p1 s14, $0x4  }
0x25: {  	s17 =	simm.s32 @!p1 $0x6400;
	s14 =	sadd.s32 @!p1 s14, s16;
	s16 =	simm.s32 @!p1 $0x20  }
0x26: {  	[tilespmem:s15], [sflag:$0x1] =	stream.strided.gather @!p1 [hbm4b:s14+s16], $0x1000, s17, s16, $0x38;
	[tilespmem:$0x4040] =	vst v63  }
0x27: {  	p1 =	sge.u32 s31, s5  }
.Ltmp2:
0x28: {  	_ = 	snop;
	(pc) =	sbr.rel @p1 .LBB1_5-.Ltmp2, $1  }
0x29: {  	_ =	sdelay $0x3  }
0x2a: {  	s14 =	simm.s32 $0x1  }
0x2b: {  	_ =	swait.ge [sflag:s4], $0x1000;
	s14 =	simm.s32 @!p0 $0x0  }
0x2c: {  	[sflag:s4] =	ssyncset.done $0x0;
	s15 =	sshll.u32 s14, $0xC  }
0x2d: {  	[sflag:s4] =	ssyncadd.s32 $0xFFFFF000;
	s18 =	sor.u32 $0x10, s15  }
0x2e: {  	s14 =	smul.u32 $0x4080, s14;
	v1 =	vld [tilespmem:s18+$0x0]  }
0x2f: {  	s30 =	sand.u32 $0x1, s11;
	v0 =	vld [tilespmem:s18+$0xFFFFFFF0]  }
0x30: {  	s15 =	smul.u32 $0x4080, s30;
	s14 =	sshrl.u32 s14, $0x2  }
0x31: {  	s16 =	sor.u32 $0x2000, s14  }
0x32: {  	s31 =	sshrl.u32 s15, $0x2;
	s15 =	sadd.s32 $0x0, s16  }
0x33: {  	s17 =	simm.s32 $0x4;
	s18 =	sadd.s32 $0x20, s18;
	s14 =	sor.u32 $0x2000, s31;
	[tilespmem:s15+$0x810 ss:$0x81] =	vst.msk $0xffff, v1  }
.LBB1_3:
0x34: {  	v1 =	vld [tilespmem:s18+$0x0];
	p1 =	sne.s32 s17, $0x1FC;
	[tilespmem:s15+$0x0 ss:$0x81] =	vst.msk $0xffff, v0;
	s15 =	smov.u32 s17;
	s17 =	sadd.s32 $0x4, s17  }
.Ltmp3:
0x35: {  	v0 =	vld [tilespmem:s18+$0xFFFFFFF0];
	(pc) =	sbr.rel @p1 .LBB1_3-.Ltmp3, $4  }
0x36: {  	_ = 	snop  }
0x37: {  	s15 =	sshra.s32 s15, $0x2  }
0x38: {  	s15 =	sadd.s32 s15, s16  }
0x39: {  	s18 =	sadd.s32 $0x20, s18;
	[tilespmem:s15+$0x810 ss:$0x81] =	vst.msk $0xffff, v1  }
.Ltmp4:
0x3a: {  	_ = 	snop;
	(pc) =	sbr.rel .LBB1_4-.Ltmp4, $1  }
0x3b: {  	_ =	sdelay $0x3  }
.LBB1_6:
0x3c: {  	_ =	sfence.sel $0x180000  }
0x3d: {  	s2 =	simm.s32 $0x1;
	[bflag:$0x0] =	sbarrier.arrive $0xFFFF  }
0x3e: {  	s31 =	simm.s32 $0x2;
	[sflag:s2] =	ssyncpa.u1 $0x1  }
0x3f: {  	[sflag:s31] =	ssyncpa.u1 $0x1  }
0x40: {  	p0 =	sne.s32 s0, $0x0;
	_ =	strace $0x9000004A  }
0x41: {  	s0 =	sadd.s32 @!p0 $0x100000, s1;
	[bflag:$0x2] =	sbarrier.arrive $0xFFFF  }
0x42: {  	[sflag:s0] =	ssyncadd.tile.s32 @!p0 $0x1;
	_ =	shalt  }
.Lfunc_end1:
_tile_overlayer_lowered:
.L_overlay_start_2:
0x43: {  	(tag) =	ssettag $0x2  }
0x44: {  	s0 =	rddreg [dreg:$0x0];
	s2 =	stileid.u32  }
0x45: {  	s1 =	rddreg [dreg:$0x1];
	p0 =	sne.s32 s2, $0x0  }
0x46: {  	s3 =	rddreg [dreg:$0x2];
	[bflag:$0x3] =	sbarrier.arrive $0xFFFF;
	s2 =	simm.s32 @!p0 $0x1C01  }
0x47: {  	[timem:s3], [sflag:s2] =	dma.local @!p0 [hbm:s0], s1  }
0x48: {  	s0 =	simm.s32 @!p0 $0x1  }
0x49: {  	_ =	swait.ge @!p0 [sflag:s0], s1  }
0x4a: {  	s1 =	ssub.s32 @!p0 $0x0, s1;
	[sflag:s0] =	ssyncset.done @!p0 $0x0  }
0x4b: {  	[sflag:s0] =	ssyncadd.s32 @!p0 s1  }
0x4c: {  	[bflag:$0x3] =	sbarrier.arrive $0xFFFF  }
0x4d: {  	_ =	shalt  }

</sc_bundles>
